<compile_context>
chip_gen: v7x
topology: tpu7x:2x2x1
jax: 0.10.2.dev20260603
libtpu: 0.0.44.dev20260713+nightly
codegen_flags: <defaults>
</compile_context>

<pallas_src>
import functools

import jax
import jax.numpy as jnp
from jax import lax
from jax.experimental import pallas as pl
from jax.experimental.pallas import tpu as pltpu
from jax.experimental.pallas import tpu_sc as plsc

CAP = 100000
HID = 64
NH = 4
HS = 16
TOPK = 32
NCODES = 16
BLK = 2000
NBLK = CAP // BLK
QB = 256
NQB = 1024 // QB
LANES = 16


def _hash_body(keys_ref, hp2_ref, codes_ref, counts_ref):
    i = pl.program_id(0)
    proj = lax.dot_general(keys_ref[...], hp2_ref[...],
                           (((1,), (0,)), ((), ())),
                           preferred_element_type=jnp.float32)
    code = jnp.zeros((BLK, 1), jnp.int32)
    for n in range(NH):
        s = jnp.sum(proj[:, n * HS:(n + 1) * HS], axis=1, keepdims=True)
        code = code + (s > 0).astype(jnp.int32) * (1 << n)
    codes_ref[...] = code
    onehot = (code == lax.broadcasted_iota(jnp.int32, (BLK, NCODES), 1))
    blk_counts = jnp.sum(onehot.astype(jnp.int32), axis=0, keepdims=True)

    @pl.when(i == 0)
    def _():
        counts_ref[...] = jnp.zeros_like(counts_ref)

    counts_ref[...] += blk_counts


def _popcount4(x):
    return (x & 1) + ((x >> 1) & 1) + ((x >> 2) & 1) + ((x >> 3) & 1)


def _select_body(codes_hbm, counts_hbm, keys_hbm, values_hbm,
                 ksel_hbm, vsel_hbm,
                 blkbuf, buf_l, buf_e, sel48, sel32, rows, counts_v, sem):
    wid = lax.axis_index("s") * 2 + lax.axis_index("c")
    c = wid % NCODES

    pltpu.sync_copy(counts_hbm, counts_v)
    counts = counts_v[...]
    bidx = lax.iota(jnp.int32, LANES)
    dist_b = _popcount4(jnp.bitwise_xor(bidx, c))

    nd = [jnp.sum(jnp.where(dist_b == d, counts, 0)) for d in range(5)]
    cums = [nd[0]]
    for d in range(1, 5):
        cums.append(cums[-1] + nd[d])
    dstar = jnp.int32(0)
    n_less = jnp.int32(0)
    for d in range(5):
        lt = (cums[d] < TOPK).astype(jnp.int32)
        dstar = dstar + lt
        n_less = n_less + lt * nd[d]
    r = TOPK - n_less

    def chunk_body(blk, t, carry):
        cl, ce = carry
        cv = blkbuf[pl.ds(t * LANES, LANES)]
        dv = _popcount4(jnp.bitwise_xor(cv, c))
        idxv = blk * BLK + t * LANES + lax.iota(jnp.int32, LANES)
        m_l = dv < dstar
        plsc.store_compressed(buf_l.at[pl.ds(cl, LANES)], idxv, mask=m_l)
        cl = cl + jnp.sum(m_l.astype(jnp.int32))
        m_e = dv == dstar
        not_full = ce < r

        @pl.when(not_full)
        def _():
            plsc.store_compressed(buf_e.at[pl.ds(ce, LANES)], idxv, mask=m_e)

        ce = ce + jnp.where(not_full, jnp.sum(m_e.astype(jnp.int32)), 0)
        return cl, ce

    def scan_cond(st):
        blk, cl, ce = st
        return jnp.logical_and(blk < NBLK,
                               jnp.logical_or(cl < n_less, ce < r))

    def scan_step(st):
        blk, cl, ce = st
        pltpu.sync_copy(codes_hbm.at[pl.ds(blk * BLK, BLK)], blkbuf)
        cl, ce = lax.fori_loop(
            0, BLK // LANES,
            lambda t, cc: chunk_body(blk, t, cc), (cl, ce))
        return blk + 1, cl, ce

    _, cl, ce = lax.while_loop(scan_cond, scan_step,
                               (jnp.int32(0), jnp.int32(0), jnp.int32(0)))

    off = jnp.int32(0)
    for buf, cnt in ((buf_l, n_less), (buf_e, r)):
        for t2 in range(2):
            v = buf[pl.ds(t2 * LANES, LANES)]
            m = (t2 * LANES + lax.iota(jnp.int32, LANES)) < cnt
            plsc.store_compressed(sel48.at[pl.ds(off, LANES)], v, mask=m)
            off = off + jnp.sum(m.astype(jnp.int32))
    sel32[pl.ds(0, LANES)] = sel48[pl.ds(0, LANES)]
    sel32[pl.ds(LANES, LANES)] = sel48[pl.ds(LANES, LANES)]

    @pl.when(wid < NCODES)
    def _():
        pltpu.async_copy(keys_hbm.at[sel32], rows, sem).wait()
        pltpu.sync_copy(rows, ksel_hbm.at[pl.ds(c * TOPK, TOPK)])

    @pl.when(wid >= NCODES)
    def _():
        pltpu.async_copy(values_hbm.at[sel32], rows, sem).wait()
        pltpu.sync_copy(rows, vsel_hbm.at[pl.ds(c * TOPK, TOPK)])


def _attn_body(q_ref, hp2_ref, ksel_ref, vsel_ref, wt_ref, b_ref, out_ref):
    q = q_ref[...]
    proj = lax.dot_general(q, hp2_ref[...],
                           (((1,), (0,)), ((), ())),
                           preferred_element_type=jnp.float32)
    code = jnp.zeros((QB, 1), jnp.int32)
    for n in range(NH):
        s = jnp.sum(proj[:, n * HS:(n + 1) * HS], axis=1, keepdims=True)
        code = code + (s > 0).astype(jnp.int32) * (1 << n)

    nc = NCODES * TOPK
    scores = lax.dot_general(q, ksel_ref[...],
                             (((1,), (1,)), ((), ())),
                             preferred_element_type=jnp.float32)
    scores = scores * (1.0 / (HID ** 0.5))
    colc = lax.broadcasted_iota(jnp.int32, (QB, nc), 1) >> 5
    msk = colc == code
    sm = jnp.where(msk, scores, jnp.float32(-1e30))
    mx = jnp.max(sm, axis=1, keepdims=True)
    e = jnp.where(msk, jnp.exp(sm - mx), 0.0)
    den = jnp.sum(e, axis=1, keepdims=True)
    wgt = e / den
    mo = lax.dot_general(wgt, vsel_ref[...],
                         (((1,), (0,)), ((), ())),
                         preferred_element_type=jnp.float32)
    res = lax.dot_general(mo, wt_ref[...],
                          (((1,), (1,)), ((), ())),
                          preferred_element_type=jnp.float32)
    out_ref[...] = res + b_ref[...]


def _hash_call(memory_keys, hp2):
    return pl.pallas_call(
        _hash_body,
        grid=(NBLK,),
        in_specs=[
            pl.BlockSpec((BLK, HID), lambda i: (i, 0)),
            pl.BlockSpec((HID, NH * HS), lambda i: (0, 0)),
        ],
        out_specs=[
            pl.BlockSpec((BLK, 1), lambda i: (i, 0)),
            pl.BlockSpec((1, NCODES), lambda i: (0, 0)),
        ],
        out_shape=[
            jax.ShapeDtypeStruct((CAP, 1), jnp.int32),
            jax.ShapeDtypeStruct((1, NCODES), jnp.int32),
        ],
    )(memory_keys, hp2)


def _select_call(codes, counts, memory_keys, memory_values):
    mesh = plsc.VectorSubcoreMesh(core_axis_name="c", subcore_axis_name="s",
                                  num_cores=2, num_subcores=16)
    f = functools.partial(
        pl.kernel,
        out_type=(
            jax.ShapeDtypeStruct((NCODES * TOPK, HID), jnp.float32),
            jax.ShapeDtypeStruct((NCODES * TOPK, HID), jnp.float32),
        ),
        mesh=mesh,
        compiler_params=pltpu.CompilerParams(needs_layout_passes=False,
                                             use_tc_tiling_on_sc=False),
        scratch_types=[
            pltpu.VMEM((BLK,), jnp.int32),
            pltpu.VMEM((48,), jnp.int32),
            pltpu.VMEM((48,), jnp.int32),
            pltpu.VMEM((48,), jnp.int32),
            pltpu.VMEM((TOPK,), jnp.int32),
            pltpu.VMEM((TOPK, HID), jnp.float32),
            pltpu.VMEM((LANES,), jnp.int32),
            pltpu.SemaphoreType.DMA,
        ],
    )(_select_body)
    return f(codes, counts, memory_keys, memory_values)


def _attn_call(query, hp2, ksel, vsel, W, b2):
    return pl.pallas_call(
        _attn_body,
        grid=(NQB,),
        in_specs=[
            pl.BlockSpec((QB, HID), lambda i: (i, 0)),
            pl.BlockSpec((HID, NH * HS), lambda i: (0, 0)),
            pl.BlockSpec((NCODES * TOPK, HID), lambda i: (0, 0)),
            pl.BlockSpec((NCODES * TOPK, HID), lambda i: (0, 0)),
            pl.BlockSpec((HID, HID), lambda i: (0, 0)),
            pl.BlockSpec((1, HID), lambda i: (0, 0)),
        ],
        out_specs=pl.BlockSpec((QB, HID), lambda i: (i, 0)),
        out_shape=jax.ShapeDtypeStruct((QB * NQB, HID), jnp.float32),
    )(query, hp2, ksel, vsel, W, b2)


def kernel(query, memory_keys, memory_values, hash_projections, W, b, top_k):
    hp2 = jnp.transpose(hash_projections, (1, 0, 2)).reshape(HID, NH * HS)
    codes2d, counts2d = _hash_call(memory_keys, hp2)
    codes = codes2d.reshape(CAP)
    counts = counts2d.reshape(NCODES)
    ksel, vsel = _select_call(codes, counts, memory_keys, memory_values)
    return _attn_call(query, hp2, ksel, vsel, W, b.reshape(1, HID))

# --- scband reference (transcript-rebuilt; emitter-appended) ---
"""Pipeline reference for scband-sparse-memory-bank-17188459118913 (READ-ONLY COPY).

The authoritative reference and input builder live on the scoring server;
editing this copy changes nothing except your own understanding.
"""

import jax, jax.numpy as jnp
import numpy as np

CAPACITY = 100000
HIDDEN = 64
NUM_HASHES = 4
HASH_SIZE = 16
TOP_K = 32
BATCH = 1024


def setup_inputs(seed: int = 0) -> dict:
    key = jax.random.key(seed)
    ks = jax.random.split(key, 6)
    query = jax.random.normal(ks[0], (BATCH, HIDDEN), dtype=jnp.float32)
    memory_keys = jax.random.normal(ks[1], (CAPACITY, HIDDEN), dtype=jnp.float32) / HIDDEN ** 0.5
    memory_values = jax.random.normal(ks[2], (CAPACITY, HIDDEN), dtype=jnp.float32) / HIDDEN ** 0.5
    hash_projections = jax.random.normal(ks[3], (NUM_HASHES, HIDDEN, HASH_SIZE), dtype=jnp.float32) / HIDDEN ** 0.5
    bound = 1.0 / HIDDEN ** 0.5
    W = jax.random.uniform(ks[4], (HIDDEN, HIDDEN), minval=-bound, maxval=bound, dtype=jnp.float32)
    b = jax.random.uniform(ks[5], (HIDDEN,), minval=-bound, maxval=bound, dtype=jnp.float32)
    return {"query": query, "memory_keys": memory_keys, "memory_values": memory_values,
            "hash_projections": hash_projections, "W": W, "b": b, "top_k": TOP_K}


def _compute_hash(x, hash_projections):
    # x: [n, hidden] -> hash codes [n, num_hashes]
    proj = jnp.einsum('bh,nhd->bnd', x, hash_projections)
    return (proj.sum(-1) > 0).astype(jnp.int32)


def reference(query, memory_keys, memory_values, hash_projections, W, b, top_k):
    capacity, hidden = memory_keys.shape
    query_hash = _compute_hash(query, hash_projections)          # [B, num_hashes]
    key_hashes = _compute_hash(memory_keys, hash_projections)    # [capacity, num_hashes] (cached, no-grad in torch)
    key_hashes = jax.lax.stop_gradient(key_hashes)
    # Hamming distance between query hashes and all key hashes
    hash_dist = (query_hash[:, None, :] != key_hashes[None, :, :]).sum(-1)  # [B, capacity]
    hash_dist = hash_dist + jnp.asarray(top_k, hash_dist.dtype) * 0
    k = min(TOP_K, CAPACITY)
    # torch.topk(largest=False) == top_k on negated distances
    _, top_indices = jax.lax.top_k(-hash_dist, k)                # [B, k]
    selected_keys = memory_keys[top_indices]                     # [B, k, hidden] gather
    selected_values = memory_values[top_indices]                 # [B, k, hidden] gather
    scores = jnp.einsum('bh,bkh->bk', query, selected_keys) / (hidden ** 0.5)
    attn_weights = jax.nn.softmax(scores, axis=-1)
    memory_output = jnp.einsum('bk,bkh->bh', attn_weights, selected_values)
    return memory_output @ W.T + b

if __name__ == "__main__":
    import jax
    _d = setup_inputs()
    print(jax.jit(kernel)(*tuple(_d.values())))

</pallas_src>

<mosaic_0001>
#map = affine_map<(d0, d1) -> (0)>
#map1 = affine_map<(d0, d1) -> (0, 0)>
module attributes {stable_mosaic.version = 14 : i64} {
  func.func @_select_body(%arg0: i32, %arg1: i32, %arg2: memref<100000xi32, #tpu.memory_space<hbm>>, %arg3: memref<16xi32, #tpu.memory_space<hbm>>, %arg4: memref<100000x64xf32, #tpu.memory_space<hbm>>, %arg5: memref<100000x64xf32, #tpu.memory_space<hbm>>, %arg6: memref<512x64xf32, #tpu.memory_space<hbm>>, %arg7: memref<512x64xf32, #tpu.memory_space<hbm>>, %arg8: memref<2000xi32, #tpu.memory_space<vmem>>, %arg9: memref<48xi32, #tpu.memory_space<vmem>>, %arg10: memref<48xi32, #tpu.memory_space<vmem>>, %arg11: memref<48xi32, #tpu.memory_space<vmem>>, %arg12: memref<32xi32, #tpu.memory_space<vmem>>, %arg13: memref<32x64xf32, #tpu.memory_space<vmem>>, %arg14: memref<16xi32, #tpu.memory_space<vmem>>, %arg15: memref<!tpu.dma_semaphore, #tpu.memory_space<semaphore_mem>>) attributes {dimension_semantics = [#tpu.dimension_semantics<core_parallel>, #tpu.dimension_semantics<subcore_parallel>], iteration_bounds = array<i64: 2, 16>, scalar_prefetch = 0 : i64, scratch_operands = 8 : i64, tpu.core_type = #tpu.core_type<sc_vector_subcore>, window_params = [{transform_indices = #map}, {transform_indices = #map}, {transform_indices = #map1}, {transform_indices = #map1}, {transform_indices = #map1}, {transform_indices = #map1}]} {
    %mul3A = arith.constant 2 : i32
    %mul3A_0 = arith.muli %arg1, %mul3A : i32
    %add3A = arith.addi %mul3A_0, %arg0 : i32
    %jit3A = arith.constant 16 : i32
    %eq3A = arith.constant 0 : i32
    %eq3A_1 = arith.cmpi eq, %jit3A, %eq3A : i32
    %jit3A_2 = arith.constant 1 : i32
    %select_n3A = arith.select %eq3A_1, %jit3A_2, %jit3A : i32
    %rem3A = arith.remsi %add3A, %select_n3A : i32
    %ne3A = arith.constant 0 : i32
    %ne3A_3 = arith.cmpi ne, %rem3A, %ne3A : i32
    %lt3A = arith.constant 0 : i32
    %lt3A_4 = arith.cmpi slt, %rem3A, %lt3A : i32
    %lt3A_5 = arith.constant 0 : i32
    %lt3A_6 = arith.cmpi slt, %select_n3A, %lt3A_5 : i32
    %ne3A_7 = arith.xori %lt3A_4, %lt3A_6 : i1
    %and3A = arith.andi %ne3A_7, %ne3A_3 : i1
    %add3A_8 = arith.addi %rem3A, %select_n3A : i32
    %select_n3A_9 = arith.select %and3A, %add3A_8, %rem3A : i32
    "tpu.region"() ({
      %run_scoped3A = tpu.sem_alloc : memref<!tpu.dma_semaphore, #tpu.memory_space<semaphore_mem>>
      tpu.enqueue_dma source(%arg3 : memref<16xi32, #tpu.memory_space<hbm>>) target(%arg14 : memref<16xi32, #tpu.memory_space<vmem>>) target_semaphore(%run_scoped3A : memref<!tpu.dma_semaphore, #tpu.memory_space<semaphore_mem>>)
      tpu.wait_dma2 semaphore(%run_scoped3A : memref<!tpu.dma_semaphore, #tpu.memory_space<semaphore_mem>>) src(%arg3 : memref<16xi32, #tpu.memory_space<hbm>>) dst(%arg14 : memref<16xi32, #tpu.memory_space<vmem>>)
      tpu.yield
    }) : () -> ()
    %get3A = arith.constant 0 : index
    %get3A_10 = tpu.vector_load %arg14[%get3A] {strides = array<i32>} : memref<16xi32, #tpu.memory_space<vmem>>, vector<16xi32>,
    %iota3A = tpu.iota {dimensions = array<i32: 0>} : vector<16xi32>
    %xor3A = vector.broadcast %select_n3A_9 : i32 to vector<16xi32>
    %xor3A_11 = arith.xori %iota3A, %xor3A : vector<16xi32>
    %and3A_12 = arith.constant 1 : i32
    %and3A_13 = vector.broadcast %and3A_12 : i32 to vector<16xi32>
    %and3A_14 = arith.andi %xor3A_11, %and3A_13 : vector<16xi32>
    %shift_right_arithmetic3A = arith.constant 1 : i32
    %shift_right_arithmetic3A_15 = vector.broadcast %shift_right_arithmetic3A : i32 to vector<16xi32>
    %shift_right_arithmetic3A_16 = arith.shrsi %xor3A_11, %shift_right_arithmetic3A_15 : vector<16xi32>
    %and3A_17 = arith.constant 1 : i32
    %and3A_18 = vector.broadcast %and3A_17 : i32 to vector<16xi32>
    %and3A_19 = arith.andi %shift_right_arithmetic3A_16, %and3A_18 : vector<16xi32>
    %add3A_20 = arith.addi %and3A_14, %and3A_19 : vector<16xi32>
    %shift_right_arithmetic3A_21 = arith.constant 2 : i32
    %shift_right_arithmetic3A_22 = vector.broadcast %shift_right_arithmetic3A_21 : i32 to vector<16xi32>
    %shift_right_arithmetic3A_23 = arith.shrsi %xor3A_11, %shift_right_arithmetic3A_22 : vector<16xi32>
    %and3A_24 = arith.constant 1 : i32
    %and3A_25 = vector.broadcast %and3A_24 : i32 to vector<16xi32>
    %and3A_26 = arith.andi %shift_right_arithmetic3A_23, %and3A_25 : vector<16xi32>
    %add3A_27 = arith.addi %add3A_20, %and3A_26 : vector<16xi32>
    %shift_right_arithmetic3A_28 = arith.constant 3 : i32
    %shift_right_arithmetic3A_29 = vector.broadcast %shift_right_arithmetic3A_28 : i32 to vector<16xi32>
    %shift_right_arithmetic3A_30 = arith.shrsi %xor3A_11, %shift_right_arithmetic3A_29 : vector<16xi32>
    %and3A_31 = arith.constant 1 : i32
    %and3A_32 = vector.broadcast %and3A_31 : i32 to vector<16xi32>
    %and3A_33 = arith.andi %shift_right_arithmetic3A_30, %and3A_32 : vector<16xi32>
    %add3A_34 = arith.addi %add3A_27, %and3A_33 : vector<16xi32>
    %eq3A_35 = arith.constant 0 : i32
    %eq3A_36 = vector.broadcast %eq3A_35 : i32 to vector<16xi32>
    %eq3A_37 = arith.cmpi eq, %add3A_34, %eq3A_36 : vector<16xi32>
    %jit3A_38 = arith.constant 0 : i32
    %broadcast_in_dim3A = vector.broadcast %jit3A_38 : i32 to vector<16xi32>
    %select_n3A_39 = arith.select %eq3A_37, %get3A_10, %broadcast_in_dim3A : vector<16xi1>, vector<16xi32>
    %reduce_sum3A = arith.constant true
    %reduce_sum3A_40 = vector.broadcast %reduce_sum3A : i1 to vector<16xi1>
    %reduce_sum3A_41 = tpu.scan <sum>, %select_n3A_39 masked %reduce_sum3A_40 : vector<16xi32>, vector<16xi1> -> vector<16xi32>
    %reduce_sum3A_42 = vector.extract %reduce_sum3A_41[15] : i32 from vector<16xi32>
    %eq3A_43 = arith.constant 1 : i32
    %eq3A_44 = vector.broadcast %eq3A_43 : i32 to vector<16xi32>
    %eq3A_45 = arith.cmpi eq, %add3A_34, %eq3A_44 : vector<16xi32>
    %jit3A_46 = arith.constant 0 : i32
    %broadcast_in_dim3A_47 = vector.broadcast %jit3A_46 : i32 to vector<16xi32>
    %select_n3A_48 = arith.select %eq3A_45, %get3A_10, %broadcast_in_dim3A_47 : vector<16xi1>, vector<16xi32>
    %reduce_sum3A_49 = arith.constant true
    %reduce_sum3A_50 = vector.broadcast %reduce_sum3A_49 : i1 to vector<16xi1>
    %reduce_sum3A_51 = tpu.scan <sum>, %select_n3A_48 masked %reduce_sum3A_50 : vector<16xi32>, vector<16xi1> -> vector<16xi32>
    %reduce_sum3A_52 = vector.extract %reduce_sum3A_51[15] : i32 from vector<16xi32>
    %eq3A_53 = arith.constant 2 : i32
    %eq3A_54 = vector.broadcast %eq3A_53 : i32 to vector<16xi32>
    %eq3A_55 = arith.cmpi eq, %add3A_34, %eq3A_54 : vector<16xi32>
    %jit3A_56 = arith.constant 0 : i32
    %broadcast_in_dim3A_57 = vector.broadcast %jit3A_56 : i32 to vector<16xi32>
    %select_n3A_58 = arith.select %eq3A_55, %get3A_10, %broadcast_in_dim3A_57 : vector<16xi1>, vector<16xi32>
    %reduce_sum3A_59 = arith.constant true
    %reduce_sum3A_60 = vector.broadcast %reduce_sum3A_59 : i1 to vector<16xi1>
    %reduce_sum3A_61 = tpu.scan <sum>, %select_n3A_58 masked %reduce_sum3A_60 : vector<16xi32>, vector<16xi1> -> vector<16xi32>
    %reduce_sum3A_62 = vector.extract %reduce_sum3A_61[15] : i32 from vector<16xi32>
    %eq3A_63 = arith.constant 3 : i32
    %eq3A_64 = vector.broadcast %eq3A_63 : i32 to vector<16xi32>
    %eq3A_65 = arith.cmpi eq, %add3A_34, %eq3A_64 : vector<16xi32>
    %jit3A_66 = arith.constant 0 : i32
    %broadcast_in_dim3A_67 = vector.broadcast %jit3A_66 : i32 to vector<16xi32>
    %select_n3A_68 = arith.select %eq3A_65, %get3A_10, %broadcast_in_dim3A_67 : vector<16xi1>, vector<16xi32>
    %reduce_sum3A_69 = arith.constant true
    %reduce_sum3A_70 = vector.broadcast %reduce_sum3A_69 : i1 to vector<16xi1>
    %reduce_sum3A_71 = tpu.scan <sum>, %select_n3A_68 masked %reduce_sum3A_70 : vector<16xi32>, vector<16xi1> -> vector<16xi32>
    %reduce_sum3A_72 = vector.extract %reduce_sum3A_71[15] : i32 from vector<16xi32>
    %eq3A_73 = arith.constant 4 : i32
    %eq3A_74 = vector.broadcast %eq3A_73 : i32 to vector<16xi32>
    %eq3A_75 = arith.cmpi eq, %add3A_34, %eq3A_74 : vector<16xi32>
    %jit3A_76 = arith.constant 0 : i32
    %broadcast_in_dim3A_77 = vector.broadcast %jit3A_76 : i32 to vector<16xi32>
    %select_n3A_78 = arith.select %eq3A_75, %get3A_10, %broadcast_in_dim3A_77 : vector<16xi1>, vector<16xi32>
    %reduce_sum3A_79 = arith.constant true
    %reduce_sum3A_80 = vector.broadcast %reduce_sum3A_79 : i1 to vector<16xi1>
    %reduce_sum3A_81 = tpu.scan <sum>, %select_n3A_78 masked %reduce_sum3A_80 : vector<16xi32>, vector<16xi1> -> vector<16xi32>
    %reduce_sum3A_82 = vector.extract %reduce_sum3A_81[15] : i32 from vector<16xi32>
    %add3A_83 = arith.addi %reduce_sum3A_42, %reduce_sum3A_52 : i32
    %add3A_84 = arith.addi %add3A_83, %reduce_sum3A_62 : i32
    %add3A_85 = arith.addi %add3A_84, %reduce_sum3A_72 : i32
    %add3A_86 = arith.addi %add3A_85, %reduce_sum3A_82 : i32
    %lt3A_87 = arith.constant 32 : i32
    %lt3A_88 = arith.cmpi slt, %reduce_sum3A_42, %lt3A_87 : i32
    %convert_element_type3A = arith.extui %lt3A_88 : i1 to i32
    %add3A_89 = arith.constant 0 : i32
    %add3A_90 = arith.addi %add3A_89, %convert_element_type3A : i32
    %mul3A_91 = arith.muli %convert_element_type3A, %reduce_sum3A_42 : i32
    %add3A_92 = arith.constant 0 : i32
    %add3A_93 = arith.addi %add3A_92, %mul3A_91 : i32
    %lt3A_94 = arith.constant 32 : i32
    %lt3A_95 = arith.cmpi slt, %add3A_83, %lt3A_94 : i32
    %convert_element_type3A_96 = arith.extui %lt3A_95 : i1 to i32
    %add3A_97 = arith.addi %add3A_90, %convert_element_type3A_96 : i32
    %mul3A_98 = arith.muli %convert_element_type3A_96, %reduce_sum3A_52 : i32
    %add3A_99 = arith.addi %add3A_93, %mul3A_98 : i32
    %lt3A_100 = arith.constant 32 : i32
    %lt3A_101 = arith.cmpi slt, %add3A_84, %lt3A_100 : i32
    %convert_element_type3A_102 = arith.extui %lt3A_101 : i1 to i32
    %add3A_103 = arith.addi %add3A_97, %convert_element_type3A_102 : i32
    %mul3A_104 = arith.muli %convert_element_type3A_102, %reduce_sum3A_62 : i32
    %add3A_105 = arith.addi %add3A_99, %mul3A_104 : i32
    %lt3A_106 = arith.constant 32 : i32
    %lt3A_107 = arith.cmpi slt, %add3A_85, %lt3A_106 : i32
    %convert_element_type3A_108 = arith.extui %lt3A_107 : i1 to i32
    %add3A_109 = arith.addi %add3A_103, %convert_element_type3A_108 : i32
    %mul3A_110 = arith.muli %convert_element_type3A_108, %reduce_sum3A_72 : i32
    %add3A_111 = arith.addi %add3A_105, %mul3A_110 : i32
    %lt3A_112 = arith.constant 32 : i32
    %lt3A_113 = arith.cmpi slt, %add3A_86, %lt3A_112 : i32
    %convert_element_type3A_114 = arith.extui %lt3A_113 : i1 to i32
    %add3A_115 = arith.addi %add3A_109, %convert_element_type3A_114 : i32
    %mul3A_116 = arith.muli %convert_element_type3A_114, %reduce_sum3A_82 : i32
    %add3A_117 = arith.addi %add3A_111, %mul3A_116 : i32
    %sub3A = arith.constant 32 : i32
    %sub3A_118 = arith.subi %sub3A, %add3A_117 : i32
    %while3A = arith.constant 0 : i32
    %while3A_119 = arith.constant 0 : i32
    %while3A_120 = arith.constant 0 : i32
    %while3A_121:3 = scf.while (%while3A_203 = %while3A, %while3A_204 = %while3A_119, %while3A_205 = %while3A_120) : (i32, i32, i32) -> (i32, i32, i32) {
      %lt3A_206 = arith.constant 50 : i32
      %lt3A_207 = arith.cmpi slt, %while3A_203, %lt3A_206 : i32
      %lt3A_208 = arith.cmpi slt, %while3A_204, %add3A_117 : i32
      %lt3A_209 = arith.cmpi slt, %while3A_205, %sub3A_118 : i32
      %or3A = arith.ori %lt3A_208, %lt3A_209 : i1
      %and3A_210 = arith.andi %lt3A_207, %or3A : i1
      scf.condition(%and3A_210) %while3A_203, %while3A_204, %while3A_205 : i32, i32, i32
    } do {
    ^bb0(%while3A_203: i32, %while3A_204: i32, %while3A_205: i32):
      %mul3A_206 = arith.constant 2000 : i32
      %mul3A_207 = arith.muli %while3A_203, %mul3A_206 : i32
      "tpu.region"() ({
        %run_scoped3A = tpu.sem_alloc : memref<!tpu.dma_semaphore, #tpu.memory_space<semaphore_mem>>
        %dma_start3A = tpu.memref_slice %arg2[%mul3A_207] : memref<100000xi32, #tpu.memory_space<hbm>> -> memref<2000xi32, #tpu.memory_space<hbm>>
        %dma_start3A_215 = tpu.memref_slice %arg2[%mul3A_207] : memref<100000xi32, #tpu.memory_space<hbm>> -> memref<2000xi32, #tpu.memory_space<hbm>>
        tpu.enqueue_dma source(%dma_start3A_215 : memref<2000xi32, #tpu.memory_space<hbm>>) target(%arg8 : memref<2000xi32, #tpu.memory_space<vmem>>) target_semaphore(%run_scoped3A : memref<!tpu.dma_semaphore, #tpu.memory_space<semaphore_mem>>)
        %dma_wait3A = tpu.memref_slice %arg2[%mul3A_207] : memref<100000xi32, #tpu.memory_space<hbm>> -> memref<2000xi32, #tpu.memory_space<hbm>>
        %dma_wait3A_216 = tpu.memref_slice %arg2[%mul3A_207] : memref<100000xi32, #tpu.memory_space<hbm>> -> memref<2000xi32, #tpu.memory_space<hbm>>
        tpu.wait_dma2 semaphore(%run_scoped3A : memref<!tpu.dma_semaphore, #tpu.memory_space<semaphore_mem>>) src(%dma_wait3A_216 : memref<2000xi32, #tpu.memory_space<hbm>>) dst(%arg8 : memref<2000xi32, #tpu.memory_space<vmem>>)
        tpu.yield
      }) : () -> ()
      %scan3A = arith.constant 0 : i32
      %scan3A_208 = arith.constant 125 : i32
      %scan3A_209 = arith.addi %scan3A, %scan3A_208 : i32
      %scan3A_210 = arith.constant 1 : i32
      %scan3A_211:2 = scf.for %scan3A_215 = %scan3A to %scan3A_209 step %scan3A_210 iter_args(%scan3A_216 = %while3A_204, %scan3A_217 = %while3A_205) -> (i32, i32)  : i32 {
        %mul3A_218 = arith.constant 16 : i32
        %mul3A_219 = arith.muli %scan3A_215, %mul3A_218 : i32
        %get3A_220 = arith.index_cast %mul3A_219 : i32 to index
        %get3A_221 = tpu.vector_load %arg8[%get3A_220] {strides = array<i32>} : memref<2000xi32, #tpu.memory_space<vmem>>, vector<16xi32>,
        %xor3A_222 = vector.broadcast %select_n3A_9 : i32 to vector<16xi32>
        %xor3A_223 = arith.xori %get3A_221, %xor3A_222 : vector<16xi32>
        %and3A_224 = arith.constant 1 : i32
        %and3A_225 = vector.broadcast %and3A_224 : i32 to vector<16xi32>
        %and3A_226 = arith.andi %xor3A_223, %and3A_225 : vector<16xi32>
        %shift_right_arithmetic3A_227 = arith.constant 1 : i32
        %shift_right_arithmetic3A_228 = vector.broadcast %shift_right_arithmetic3A_227 : i32 to vector<16xi32>
        %shift_right_arithmetic3A_229 = arith.shrsi %xor3A_223, %shift_right_arithmetic3A_228 : vector<16xi32>
        %and3A_230 = arith.constant 1 : i32
        %and3A_231 = vector.broadcast %and3A_230 : i32 to vector<16xi32>
        %and3A_232 = arith.andi %shift_right_arithmetic3A_229, %and3A_231 : vector<16xi32>
        %add3A_233 = arith.addi %and3A_226, %and3A_232 : vector<16xi32>
        %shift_right_arithmetic3A_234 = arith.constant 2 : i32
        %shift_right_arithmetic3A_235 = vector.broadcast %shift_right_arithmetic3A_234 : i32 to vector<16xi32>
        %shift_right_arithmetic3A_236 = arith.shrsi %xor3A_223, %shift_right_arithmetic3A_235 : vector<16xi32>
        %and3A_237 = arith.constant 1 : i32
        %and3A_238 = vector.broadcast %and3A_237 : i32 to vector<16xi32>
        %and3A_239 = arith.andi %shift_right_arithmetic3A_236, %and3A_238 : vector<16xi32>
        %add3A_240 = arith.addi %add3A_233, %and3A_239 : vector<16xi32>
        %shift_right_arithmetic3A_241 = arith.constant 3 : i32
        %shift_right_arithmetic3A_242 = vector.broadcast %shift_right_arithmetic3A_241 : i32 to vector<16xi32>
        %shift_right_arithmetic3A_243 = arith.shrsi %xor3A_223, %shift_right_arithmetic3A_242 : vector<16xi32>
        %and3A_244 = arith.constant 1 : i32
        %and3A_245 = vector.broadcast %and3A_244 : i32 to vector<16xi32>
        %and3A_246 = arith.andi %shift_right_arithmetic3A_243, %and3A_245 : vector<16xi32>
        %add3A_247 = arith.addi %add3A_240, %and3A_246 : vector<16xi32>
        %mul3A_248 = arith.constant 2000 : i32
        %mul3A_249 = arith.muli %while3A_203, %mul3A_248 : i32
        %mul3A_250 = arith.constant 16 : i32
        %mul3A_251 = arith.muli %scan3A_215, %mul3A_250 : i32
        %add3A_252 = arith.addi %mul3A_249, %mul3A_251 : i32
        %iota3A_253 = tpu.iota {dimensions = array<i32: 0>} : vector<16xi32>
        %add3A_254 = vector.broadcast %add3A_252 : i32 to vector<16xi32>
        %add3A_255 = arith.addi %add3A_254, %iota3A_253 : vector<16xi32>
        %lt3A_256 = vector.broadcast %add3A_115 : i32 to vector<16xi32>
        %lt3A_257 = arith.cmpi slt, %add3A_247, %lt3A_256 : vector<16xi32>
        %swap3A_258 = arith.index_cast %scan3A_216 : i32 to index
        %swap3A_259 = tpu.vector_load %arg9[%swap3A_258] masked %lt3A_257 {strides = array<i32>} : memref<48xi32, #tpu.memory_space<vmem>>, vector<16xi32>, vector<16xi1>
        tpu.vector_store %arg9[%swap3A_258], %add3A_255 masked %lt3A_257 {strides = array<i32>} : memref<48xi32, #tpu.memory_space<vmem>>, vector<16xi32>, vector<16xi1>
        %convert_element_type3A_260 = arith.extui %lt3A_257 : vector<16xi1> to vector<16xi32>
        %reduce_sum3A_261 = arith.constant true
        %reduce_sum3A_262 = vector.broadcast %reduce_sum3A_261 : i1 to vector<16xi1>
        %reduce_sum3A_263 = tpu.scan <sum>, %convert_element_type3A_260 masked %reduce_sum3A_262 : vector<16xi32>, vector<16xi1> -> vector<16xi32>
        %reduce_sum3A_264 = vector.extract %reduce_sum3A_263[15] : i32 from vector<16xi32>
        %add3A_265 = arith.addi %scan3A_216, %reduce_sum3A_264 : i32
        %eq3A_266 = vector.broadcast %add3A_115 : i32 to vector<16xi32>
        %eq3A_267 = arith.cmpi eq, %add3A_247, %eq3A_266 : vector<16xi32>
        %lt3A_268 = arith.cmpi slt, %scan3A_217, %sub3A_118 : i32
        %convert_element_type3A_269 = arith.extui %lt3A_268 : i1 to i32
        %cond3A_270 = arith.constant 0 : i32
        %cond3A_271 = arith.cmpi ne, %convert_element_type3A_269, %cond3A_270 : i32
        scf.if %cond3A_271 {
          %swap3A_280 = arith.index_cast %scan3A_217 : i32 to index
          %swap3A_281 = tpu.vector_load %arg10[%swap3A_280] masked %eq3A_267 {strides = array<i32>} : memref<48xi32, #tpu.memory_space<vmem>>, vector<16xi32>, vector<16xi1>
          tpu.vector_store %arg10[%swap3A_280], %add3A_255 masked %eq3A_267 {strides = array<i32>} : memref<48xi32, #tpu.memory_space<vmem>>, vector<16xi32>, vector<16xi1>
        } else {
        }
        %convert_element_type3A_272 = arith.extui %eq3A_267 : vector<16xi1> to vector<16xi32>
        %reduce_sum3A_273 = arith.constant true
        %reduce_sum3A_274 = vector.broadcast %reduce_sum3A_273 : i1 to vector<16xi1>
        %reduce_sum3A_275 = tpu.scan <sum>, %convert_element_type3A_272 masked %reduce_sum3A_274 : vector<16xi32>, vector<16xi1> -> vector<16xi32>
        %reduce_sum3A_276 = vector.extract %reduce_sum3A_275[15] : i32 from vector<16xi32>
        %jit3A_277 = arith.constant 0 : i32
        %select_n3A_278 = arith.select %lt3A_268, %reduce_sum3A_276, %jit3A_277 : i32
        %add3A_279 = arith.addi %scan3A_217, %select_n3A_278 : i32
        scf.yield %add3A_265, %add3A_279 : i32, i32
      }
      %scan3A_212 = arith.constant 125 : i32
      %add3A_213 = arith.constant 1 : i32
      %add3A_214 = arith.addi %while3A_203, %add3A_213 : i32
      scf.yield %add3A_214, %scan3A_211#0, %scan3A_211#1 : i32, i32, i32
    }
    %get3A_122 = arith.constant 0 : index
    %get3A_123 = tpu.vector_load %arg9[%get3A_122] {strides = array<i32>} : memref<48xi32, #tpu.memory_space<vmem>>, vector<16xi32>,
    %iota3A_124 = tpu.iota {dimensions = array<i32: 0>} : vector<16xi32>
    %add3A_125 = arith.constant 0 : i32
    %add3A_126 = vector.broadcast %add3A_125 : i32 to vector<16xi32>
    %add3A_127 = arith.addi %add3A_126, %iota3A_124 : vector<16xi32>
    %lt3A_128 = vector.broadcast %add3A_117 : i32 to vector<16xi32>
    %lt3A_129 = arith.cmpi slt, %add3A_127, %lt3A_128 : vector<16xi32>
    %swap3A = arith.constant 0 : i32
    %swap3A_130 = arith.index_cast %swap3A : i32 to index
    %swap3A_131 = tpu.vector_load %arg11[%swap3A_130] masked %lt3A_129 {strides = array<i32>} : memref<48xi32, #tpu.memory_space<vmem>>, vector<16xi32>, vector<16xi1>
    tpu.vector_store %arg11[%swap3A_130], %get3A_123 masked %lt3A_129 {strides = array<i32>} : memref<48xi32, #tpu.memory_space<vmem>>, vector<16xi32>, vector<16xi1>
    %convert_element_type3A_132 = arith.extui %lt3A_129 : vector<16xi1> to vector<16xi32>
    %reduce_sum3A_133 = arith.constant true
    %reduce_sum3A_134 = vector.broadcast %reduce_sum3A_133 : i1 to vector<16xi1>
    %reduce_sum3A_135 = tpu.scan <sum>, %convert_element_type3A_132 masked %reduce_sum3A_134 : vector<16xi32>, vector<16xi1> -> vector<16xi32>
    %reduce_sum3A_136 = vector.extract %reduce_sum3A_135[15] : i32 from vector<16xi32>
    %add3A_137 = arith.constant 0 : i32
    %add3A_138 = arith.addi %add3A_137, %reduce_sum3A_136 : i32
    %get3A_139 = arith.constant 16 : index
    %get3A_140 = tpu.vector_load %arg9[%get3A_139] {strides = array<i32>} : memref<48xi32, #tpu.memory_space<vmem>>, vector<16xi32>,
    %iota3A_141 = tpu.iota {dimensions = array<i32: 0>} : vector<16xi32>
    %add3A_142 = arith.constant 16 : i32
    %add3A_143 = vector.broadcast %add3A_142 : i32 to vector<16xi32>
    %add3A_144 = arith.addi %add3A_143, %iota3A_141 : vector<16xi32>
    %lt3A_145 = vector.broadcast %add3A_117 : i32 to vector<16xi32>
    %lt3A_146 = arith.cmpi slt, %add3A_144, %lt3A_145 : vector<16xi32>
    %swap3A_147 = arith.index_cast %add3A_138 : i32 to index
    %swap3A_148 = tpu.vector_load %arg11[%swap3A_147] masked %lt3A_146 {strides = array<i32>} : memref<48xi32, #tpu.memory_space<vmem>>, vector<16xi32>, vector<16xi1>
    tpu.vector_store %arg11[%swap3A_147], %get3A_140 masked %lt3A_146 {strides = array<i32>} : memref<48xi32, #tpu.memory_space<vmem>>, vector<16xi32>, vector<16xi1>
    %convert_element_type3A_149 = arith.extui %lt3A_146 : vector<16xi1> to vector<16xi32>
    %reduce_sum3A_150 = arith.constant true
    %reduce_sum3A_151 = vector.broadcast %reduce_sum3A_150 : i1 to vector<16xi1>
    %reduce_sum3A_152 = tpu.scan <sum>, %convert_element_type3A_149 masked %reduce_sum3A_151 : vector<16xi32>, vector<16xi1> -> vector<16xi32>
    %reduce_sum3A_153 = vector.extract %reduce_sum3A_152[15] : i32 from vector<16xi32>
    %add3A_154 = arith.addi %add3A_138, %reduce_sum3A_153 : i32
    %get3A_155 = arith.constant 0 : index
    %get3A_156 = tpu.vector_load %arg10[%get3A_155] {strides = array<i32>} : memref<48xi32, #tpu.memory_space<vmem>>, vector<16xi32>,
    %iota3A_157 = tpu.iota {dimensions = array<i32: 0>} : vector<16xi32>
    %add3A_158 = arith.constant 0 : i32
    %add3A_159 = vector.broadcast %add3A_158 : i32 to vector<16xi32>
    %add3A_160 = arith.addi %add3A_159, %iota3A_157 : vector<16xi32>
    %lt3A_161 = vector.broadcast %sub3A_118 : i32 to vector<16xi32>
    %lt3A_162 = arith.cmpi slt, %add3A_160, %lt3A_161 : vector<16xi32>
    %swap3A_163 = arith.index_cast %add3A_154 : i32 to index
    %swap3A_164 = tpu.vector_load %arg11[%swap3A_163] masked %lt3A_162 {strides = array<i32>} : memref<48xi32, #tpu.memory_space<vmem>>, vector<16xi32>, vector<16xi1>
    tpu.vector_store %arg11[%swap3A_163], %get3A_156 masked %lt3A_162 {strides = array<i32>} : memref<48xi32, #tpu.memory_space<vmem>>, vector<16xi32>, vector<16xi1>
    %convert_element_type3A_165 = arith.extui %lt3A_162 : vector<16xi1> to vector<16xi32>
    %reduce_sum3A_166 = arith.constant true
    %reduce_sum3A_167 = vector.broadcast %reduce_sum3A_166 : i1 to vector<16xi1>
    %reduce_sum3A_168 = tpu.scan <sum>, %convert_element_type3A_165 masked %reduce_sum3A_167 : vector<16xi32>, vector<16xi1> -> vector<16xi32>
    %reduce_sum3A_169 = vector.extract %reduce_sum3A_168[15] : i32 from vector<16xi32>
    %add3A_170 = arith.addi %add3A_154, %reduce_sum3A_169 : i32
    %get3A_171 = arith.constant 16 : index
    %get3A_172 = tpu.vector_load %arg10[%get3A_171] {strides = array<i32>} : memref<48xi32, #tpu.memory_space<vmem>>, vector<16xi32>,
    %iota3A_173 = tpu.iota {dimensions = array<i32: 0>} : vector<16xi32>
    %add3A_174 = arith.constant 16 : i32
    %add3A_175 = vector.broadcast %add3A_174 : i32 to vector<16xi32>
    %add3A_176 = arith.addi %add3A_175, %iota3A_173 : vector<16xi32>
    %lt3A_177 = vector.broadcast %sub3A_118 : i32 to vector<16xi32>
    %lt3A_178 = arith.cmpi slt, %add3A_176, %lt3A_177 : vector<16xi32>
    %swap3A_179 = arith.index_cast %add3A_170 : i32 to index
    %swap3A_180 = tpu.vector_load %arg11[%swap3A_179] masked %lt3A_178 {strides = array<i32>} : memref<48xi32, #tpu.memory_space<vmem>>, vector<16xi32>, vector<16xi1>
    tpu.vector_store %arg11[%swap3A_179], %get3A_172 masked %lt3A_178 {strides = array<i32>} : memref<48xi32, #tpu.memory_space<vmem>>, vector<16xi32>, vector<16xi1>
    %convert_element_type3A_181 = arith.extui %lt3A_178 : vector<16xi1> to vector<16xi32>
    %reduce_sum3A_182 = arith.constant true
    %reduce_sum3A_183 = vector.broadcast %reduce_sum3A_182 : i1 to vector<16xi1>
    %reduce_sum3A_184 = tpu.scan <sum>, %convert_element_type3A_181 masked %reduce_sum3A_183 : vector<16xi32>, vector<16xi1> -> vector<16xi32>
    %reduce_sum3A_185 = vector.extract %reduce_sum3A_184[15] : i32 from vector<16xi32>
    %add3A_186 = arith.addi %add3A_170, %reduce_sum3A_185 : i32
    %get3A_187 = arith.constant 0 : index
    %get3A_188 = tpu.vector_load %arg11[%get3A_187] {strides = array<i32>} : memref<48xi32, #tpu.memory_space<vmem>>, vector<16xi32>,
    %swap3A_189 = arith.constant 0 : index
    %swap3A_190 = tpu.vector_load %arg12[%swap3A_189] {strides = array<i32>} : memref<32xi32, #tpu.memory_space<vmem>>, vector<16xi32>,
    tpu.vector_store %arg12[%swap3A_189], %get3A_188 {strides = array<i32>} : memref<32xi32, #tpu.memory_space<vmem>>, vector<16xi32>,
    %get3A_191 = arith.constant 16 : index
    %get3A_192 = tpu.vector_load %arg11[%get3A_191] {strides = array<i32>} : memref<48xi32, #tpu.memory_space<vmem>>, vector<16xi32>,
    %swap3A_193 = arith.constant 16 : index
    %swap3A_194 = tpu.vector_load %arg12[%swap3A_193] {strides = array<i32>} : memref<32xi32, #tpu.memory_space<vmem>>, vector<16xi32>,
    tpu.vector_store %arg12[%swap3A_193], %get3A_192 {strides = array<i32>} : memref<32xi32, #tpu.memory_space<vmem>>, vector<16xi32>,
    %lt3A_195 = arith.constant 16 : i32
    %lt3A_196 = arith.cmpi slt, %add3A, %lt3A_195 : i32
    %convert_element_type3A_197 = arith.extui %lt3A_196 : i1 to i32
    %cond3A = arith.constant 0 : i32
    %cond3A_198 = arith.cmpi ne, %convert_element_type3A_197, %cond3A : i32
    scf.if %cond3A_198 {
      %dma_start3A = arith.constant 0 : i32
      %dma_start3A_203 = arith.constant 0 : i32
      %dma_start3A_204 = tpu.memref_slice %arg4[%dma_start3A, %dma_start3A_203] : memref<100000x64xf32, #tpu.memory_space<hbm>> -> memref<100000x64xf32, #tpu.memory_space<hbm>>
      tpu.enqueue_indirect_dma source(%dma_start3A_204 : memref<100000x64xf32, #tpu.memory_space<hbm>>) target(%arg13 : memref<32x64xf32, #tpu.memory_space<vmem>>) offsets(%arg12 : memref<32xi32, #tpu.memory_space<vmem>>) semaphore(%arg15 : memref<!tpu.dma_semaphore, #tpu.memory_space<semaphore_mem>>)
      %dma_wait3A = arith.constant 0 : i32
      %dma_wait3A_205 = arith.constant 0 : i32
      %dma_wait3A_206 = tpu.memref_slice %arg4[%dma_wait3A, %dma_wait3A_205] : memref<100000x64xf32, #tpu.memory_space<hbm>> -> memref<100000x64xf32, #tpu.memory_space<hbm>>
      tpu.wait_indirect_dma semaphore(%arg15 : memref<!tpu.dma_semaphore, #tpu.memory_space<semaphore_mem>>) src(%dma_wait3A_206 : memref<100000x64xf32, #tpu.memory_space<hbm>>) dst(%arg13 : memref<32x64xf32, #tpu.memory_space<vmem>>)
      %mul3A_207 = arith.constant 32 : i32
      %mul3A_208 = arith.muli %select_n3A_9, %mul3A_207 : i32
      "tpu.region"() ({
        %run_scoped3A = tpu.sem_alloc : memref<!tpu.dma_semaphore, #tpu.memory_space<semaphore_mem>>
        %dma_start3A_209 = arith.constant 0 : i32
        %dma_start3A_210 = tpu.memref_slice %arg6[%mul3A_208, %dma_start3A_209] : memref<512x64xf32, #tpu.memory_space<hbm>> -> memref<32x64xf32, #tpu.memory_space<hbm>>
        %dma_start3A_211 = arith.constant 0 : i32
        %dma_start3A_212 = tpu.memref_slice %arg6[%mul3A_208, %dma_start3A_211] : memref<512x64xf32, #tpu.memory_space<hbm>> -> memref<32x64xf32, #tpu.memory_space<hbm>>
        tpu.enqueue_dma source(%arg13 : memref<32x64xf32, #tpu.memory_space<vmem>>) target(%dma_start3A_212 : memref<32x64xf32, #tpu.memory_space<hbm>>) target_semaphore(%run_scoped3A : memref<!tpu.dma_semaphore, #tpu.memory_space<semaphore_mem>>)
        %dma_wait3A_213 = arith.constant 0 : i32
        %dma_wait3A_214 = tpu.memref_slice %arg6[%mul3A_208, %dma_wait3A_213] : memref<512x64xf32, #tpu.memory_space<hbm>> -> memref<32x64xf32, #tpu.memory_space<hbm>>
        %dma_wait3A_215 = arith.constant 0 : i32
        %dma_wait3A_216 = tpu.memref_slice %arg6[%mul3A_208, %dma_wait3A_215] : memref<512x64xf32, #tpu.memory_space<hbm>> -> memref<32x64xf32, #tpu.memory_space<hbm>>
        tpu.wait_dma2 semaphore(%run_scoped3A : memref<!tpu.dma_semaphore, #tpu.memory_space<semaphore_mem>>) src(%arg13 : memref<32x64xf32, #tpu.memory_space<vmem>>) dst(%dma_wait3A_216 : memref<32x64xf32, #tpu.memory_space<hbm>>)
        tpu.yield
      }) : () -> ()
    } else {
    }
    %ge3A = arith.constant 16 : i32
    %ge3A_199 = arith.cmpi sge, %add3A, %ge3A : i32
    %convert_element_type3A_200 = arith.extui %ge3A_199 : i1 to i32
    %cond3A_201 = arith.constant 0 : i32
    %cond3A_202 = arith.cmpi ne, %convert_element_type3A_200, %cond3A_201 : i32
    scf.if %cond3A_202 {
      %dma_start3A = arith.constant 0 : i32
      %dma_start3A_203 = arith.constant 0 : i32
      %dma_start3A_204 = tpu.memref_slice %arg5[%dma_start3A, %dma_start3A_203] : memref<100000x64xf32, #tpu.memory_space<hbm>> -> memref<100000x64xf32, #tpu.memory_space<hbm>>
      tpu.enqueue_indirect_dma source(%dma_start3A_204 : memref<100000x64xf32, #tpu.memory_space<hbm>>) target(%arg13 : memref<32x64xf32, #tpu.memory_space<vmem>>) offsets(%arg12 : memref<32xi32, #tpu.memory_space<vmem>>) semaphore(%arg15 : memref<!tpu.dma_semaphore, #tpu.memory_space<semaphore_mem>>)
      %dma_wait3A = arith.constant 0 : i32
      %dma_wait3A_205 = arith.constant 0 : i32
      %dma_wait3A_206 = tpu.memref_slice %arg5[%dma_wait3A, %dma_wait3A_205] : memref<100000x64xf32, #tpu.memory_space<hbm>> -> memref<100000x64xf32, #tpu.memory_space<hbm>>
      tpu.wait_indirect_dma semaphore(%arg15 : memref<!tpu.dma_semaphore, #tpu.memory_space<semaphore_mem>>) src(%dma_wait3A_206 : memref<100000x64xf32, #tpu.memory_space<hbm>>) dst(%arg13 : memref<32x64xf32, #tpu.memory_space<vmem>>)
      %mul3A_207 = arith.constant 32 : i32
      %mul3A_208 = arith.muli %select_n3A_9, %mul3A_207 : i32
      "tpu.region"() ({
        %run_scoped3A = tpu.sem_alloc : memref<!tpu.dma_semaphore, #tpu.memory_space<semaphore_mem>>
        %dma_start3A_209 = arith.constant 0 : i32
        %dma_start3A_210 = tpu.memref_slice %arg7[%mul3A_208, %dma_start3A_209] : memref<512x64xf32, #tpu.memory_space<hbm>> -> memref<32x64xf32, #tpu.memory_space<hbm>>
        %dma_start3A_211 = arith.constant 0 : i32
        %dma_start3A_212 = tpu.memref_slice %arg7[%mul3A_208, %dma_start3A_211] : memref<512x64xf32, #tpu.memory_space<hbm>> -> memref<32x64xf32, #tpu.memory_space<hbm>>
        tpu.enqueue_dma source(%arg13 : memref<32x64xf32, #tpu.memory_space<vmem>>) target(%dma_start3A_212 : memref<32x64xf32, #tpu.memory_space<hbm>>) target_semaphore(%run_scoped3A : memref<!tpu.dma_semaphore, #tpu.memory_space<semaphore_mem>>)
        %dma_wait3A_213 = arith.constant 0 : i32
        %dma_wait3A_214 = tpu.memref_slice %arg7[%mul3A_208, %dma_wait3A_213] : memref<512x64xf32, #tpu.memory_space<hbm>> -> memref<32x64xf32, #tpu.memory_space<hbm>>
        %dma_wait3A_215 = arith.constant 0 : i32
        %dma_wait3A_216 = tpu.memref_slice %arg7[%mul3A_208, %dma_wait3A_215] : memref<512x64xf32, #tpu.memory_space<hbm>> -> memref<32x64xf32, #tpu.memory_space<hbm>>
        tpu.wait_dma2 semaphore(%run_scoped3A : memref<!tpu.dma_semaphore, #tpu.memory_space<semaphore_mem>>) src(%arg13 : memref<32x64xf32, #tpu.memory_space<vmem>>) dst(%dma_wait3A_216 : memref<32x64xf32, #tpu.memory_space<hbm>>)
        tpu.yield
      }) : () -> ()
    } else {
    }
    return
  }
}

module attributes {stable_mosaic.version = 14 : i64} {
  func.func @_hash_body(%arg0: i32, %arg1: memref<2000x64xf32, #tpu.memory_space<vmem>>, %arg2: memref<64x64xf32, #tpu.memory_space<vmem>>, %arg3: memref<2000x1xi32, #tpu.memory_space<vmem>>, %arg4: memref<1x16xi32, #tpu.memory_space<vmem>>) attributes {dimension_semantics = [#tpu.dimension_semantics<arbitrary>], iteration_bounds = array<i64: 50>, scalar_prefetch = 0 : i64, scratch_operands = 0 : i64, tpu.core_type = #tpu.core_type<tc>, window_params = [{transform_indices = @transform_0, window_bounds = array<i64: 2000, 64>}, {pipeline_mode = #tpu.pipeline_mode<synchronous>, transform_indices = @transform_1, window_bounds = array<i64: 64, 64>}, {transform_indices = @transform_2, window_bounds = array<i64: 2000, 1>}, {pipeline_mode = #tpu.pipeline_mode<synchronous>, transform_indices = @transform_3, window_bounds = array<i64: 1, 16>}]} {
    %get3A = arith.constant 0 : index
    %get3A_0 = arith.constant 0 : index
    %get3A_1 = vector.load %arg1[%get3A, %get3A_0] : memref<2000x64xf32, #tpu.memory_space<vmem>>, vector<2000x64xf32>
    %get3A_2 = arith.constant 0 : index
    %get3A_3 = arith.constant 0 : index
    %get3A_4 = vector.load %arg2[%get3A_2, %get3A_3] : memref<64x64xf32, #tpu.memory_space<vmem>>, vector<64x64xf32>
    %dot_general3A = arith.constant dense<0.000000e+00> : vector<2000x64xf32>
    %dot_general3A_5 = tpu.matmul %get3A_1, %get3A_4, %dot_general3A {dimension_numbers = #tpu.dot_dimension_numbers<[1], [0], [0], [1], [0, 0, 1, 1], [], []>, transpose_lhs_hint = false} : vector<2000x64xf32>, vector<64x64xf32>, vector<2000x64xf32> -> vector<2000x64xf32>
    %broadcast_in_dim3A = arith.constant 0 : i32
    %broadcast_in_dim3A_6 = vector.broadcast %broadcast_in_dim3A : i32 to vector<2000x1xi32>
    %slice3A = vector.extract_strided_slice %dot_general3A_5 {offsets = [0, 0], sizes = [2000, 16], strides = [1, 1]} : vector<2000x64xf32> to vector<2000x16xf32>
    %reduce_sum3A = arith.constant dense<0.000000e+00> : vector<2000xf32>
    %reduce_sum3A_7 = vector.multi_reduction <add>, %slice3A, %reduce_sum3A [1] : vector<2000x16xf32> to vector<2000xf32>
    %broadcast_in_dim3A_8 = vector.shape_cast %reduce_sum3A_7 : vector<2000xf32> to vector<2000x1xf32>
    %gt3A = arith.constant 0.000000e+00 : f32
    %gt3A_9 = vector.broadcast %gt3A : f32 to vector<2000x1xf32>
    %gt3A_10 = arith.cmpf ogt, %broadcast_in_dim3A_8, %gt3A_9 : vector<2000x1xf32>
    %convert_element_type3A = arith.extui %gt3A_10 : vector<2000x1xi1> to vector<2000x1xi32>
    %mul3A = arith.constant 1 : i32
    %mul3A_11 = vector.broadcast %mul3A : i32 to vector<2000x1xi32>
    %mul3A_12 = arith.muli %convert_element_type3A, %mul3A_11 : vector<2000x1xi32>
    %add3A = arith.addi %broadcast_in_dim3A_6, %mul3A_12 : vector<2000x1xi32>
    %slice3A_13 = vector.extract_strided_slice %dot_general3A_5 {offsets = [0, 16], sizes = [2000, 16], strides = [1, 1]} : vector<2000x64xf32> to vector<2000x16xf32>
    %reduce_sum3A_14 = arith.constant dense<0.000000e+00> : vector<2000xf32>
    %reduce_sum3A_15 = vector.multi_reduction <add>, %slice3A_13, %reduce_sum3A_14 [1] : vector<2000x16xf32> to vector<2000xf32>
    %broadcast_in_dim3A_16 = vector.shape_cast %reduce_sum3A_15 : vector<2000xf32> to vector<2000x1xf32>
    %gt3A_17 = arith.constant 0.000000e+00 : f32
    %gt3A_18 = vector.broadcast %gt3A_17 : f32 to vector<2000x1xf32>
    %gt3A_19 = arith.cmpf ogt, %broadcast_in_dim3A_16, %gt3A_18 : vector<2000x1xf32>
    %convert_element_type3A_20 = arith.extui %gt3A_19 : vector<2000x1xi1> to vector<2000x1xi32>
    %mul3A_21 = arith.constant 2 : i32
    %mul3A_22 = vector.broadcast %mul3A_21 : i32 to vector<2000x1xi32>
    %mul3A_23 = arith.muli %convert_element_type3A_20, %mul3A_22 : vector<2000x1xi32>
    %add3A_24 = arith.addi %add3A, %mul3A_23 : vector<2000x1xi32>
    %slice3A_25 = vector.extract_strided_slice %dot_general3A_5 {offsets = [0, 32], sizes = [2000, 16], strides = [1, 1]} : vector<2000x64xf32> to vector<2000x16xf32>
    %reduce_sum3A_26 = arith.constant dense<0.000000e+00> : vector<2000xf32>
    %reduce_sum3A_27 = vector.multi_reduction <add>, %slice3A_25, %reduce_sum3A_26 [1] : vector<2000x16xf32> to vector<2000xf32>
    %broadcast_in_dim3A_28 = vector.shape_cast %reduce_sum3A_27 : vector<2000xf32> to vector<2000x1xf32>
    %gt3A_29 = arith.constant 0.000000e+00 : f32
    %gt3A_30 = vector.broadcast %gt3A_29 : f32 to vector<2000x1xf32>
    %gt3A_31 = arith.cmpf ogt, %broadcast_in_dim3A_28, %gt3A_30 : vector<2000x1xf32>
    %convert_element_type3A_32 = arith.extui %gt3A_31 : vector<2000x1xi1> to vector<2000x1xi32>
    %mul3A_33 = arith.constant 4 : i32
    %mul3A_34 = vector.broadcast %mul3A_33 : i32 to vector<2000x1xi32>
    %mul3A_35 = arith.muli %convert_element_type3A_32, %mul3A_34 : vector<2000x1xi32>
    %add3A_36 = arith.addi %add3A_24, %mul3A_35 : vector<2000x1xi32>
    %slice3A_37 = vector.extract_strided_slice %dot_general3A_5 {offsets = [0, 48], sizes = [2000, 16], strides = [1, 1]} : vector<2000x64xf32> to vector<2000x16xf32>
    %reduce_sum3A_38 = arith.constant dense<0.000000e+00> : vector<2000xf32>
    %reduce_sum3A_39 = vector.multi_reduction <add>, %slice3A_37, %reduce_sum3A_38 [1] : vector<2000x16xf32> to vector<2000xf32>
    %broadcast_in_dim3A_40 = vector.shape_cast %reduce_sum3A_39 : vector<2000xf32> to vector<2000x1xf32>
    %gt3A_41 = arith.constant 0.000000e+00 : f32
    %gt3A_42 = vector.broadcast %gt3A_41 : f32 to vector<2000x1xf32>
    %gt3A_43 = arith.cmpf ogt, %broadcast_in_dim3A_40, %gt3A_42 : vector<2000x1xf32>
    %convert_element_type3A_44 = arith.extui %gt3A_43 : vector<2000x1xi1> to vector<2000x1xi32>
    %mul3A_45 = arith.constant 8 : i32
    %mul3A_46 = vector.broadcast %mul3A_45 : i32 to vector<2000x1xi32>
    %mul3A_47 = arith.muli %convert_element_type3A_44, %mul3A_46 : vector<2000x1xi32>
    %add3A_48 = arith.addi %add3A_36, %mul3A_47 : vector<2000x1xi32>
    %swap3A = arith.constant 0 : index
    %swap3A_49 = arith.constant 0 : index
    %swap3A_50 = vector.load %arg3[%swap3A, %swap3A_49] : memref<2000x1xi32, #tpu.memory_space<vmem>>, vector<2000x1xi32>
    tpu.vector_store %arg3[%swap3A, %swap3A_49], %add3A_48 {strides = array<i32>} : memref<2000x1xi32, #tpu.memory_space<vmem>>, vector<2000x1xi32>,
    %iota3A = tpu.iota {dimensions = array<i32: 1>} : vector<2000x16xi32>
    %eq3A = vector.broadcast %add3A_48 : vector<2000x1xi32> to vector<2000x16xi32>
    %eq3A_51 = arith.cmpi eq, %eq3A, %iota3A : vector<2000x16xi32>
    %convert_element_type3A_52 = arith.extui %eq3A_51 : vector<2000x16xi1> to vector<2000x16xi32>
    %reduce_sum3A_53 = arith.constant dense<0> : vector<16xi32>
    %reduce_sum3A_54 = vector.multi_reduction <add>, %convert_element_type3A_52, %reduce_sum3A_53 [0] : vector<2000x16xi32> to vector<16xi32>
    %broadcast_in_dim3A_55 = vector.shape_cast %reduce_sum3A_54 : vector<16xi32> to vector<1x16xi32>
    %eq3A_56 = arith.constant 0 : i32
    %eq3A_57 = arith.cmpi eq, %arg0, %eq3A_56 : i32
    %convert_element_type3A_58 = arith.extui %eq3A_57 : i1 to i32
    %cond3A = arith.constant 0 : i32
    %cond3A_59 = arith.cmpi ne, %convert_element_type3A_58, %cond3A : i32
    scf.if %cond3A_59 {
      %broadcast_in_dim3A_67 = arith.constant 0 : i32
      %broadcast_in_dim3A_68 = vector.broadcast %broadcast_in_dim3A_67 : i32 to vector<1x16xi32>
      %swap3A_69 = arith.constant 0 : index
      %swap3A_70 = arith.constant 0 : index
      %swap3A_71 = vector.load %arg4[%swap3A_69, %swap3A_70] : memref<1x16xi32, #tpu.memory_space<vmem>>, vector<1x16xi32>
      tpu.vector_store %arg4[%swap3A_69, %swap3A_70], %broadcast_in_dim3A_68 {strides = array<i32>} : memref<1x16xi32, #tpu.memory_space<vmem>>, vector<1x16xi32>,
    } else {
    }
    %get3A_60 = arith.constant 0 : index
    %get3A_61 = arith.constant 0 : index
    %get3A_62 = vector.load %arg4[%get3A_60, %get3A_61] : memref<1x16xi32, #tpu.memory_space<vmem>>, vector<1x16xi32>
    %add3A_63 = arith.addi %get3A_62, %broadcast_in_dim3A_55 : vector<1x16xi32>
    %swap3A_64 = arith.constant 0 : index
    %swap3A_65 = arith.constant 0 : index
    %swap3A_66 = vector.load %arg4[%swap3A_64, %swap3A_65] : memref<1x16xi32, #tpu.memory_space<vmem>>, vector<1x16xi32>
    tpu.vector_store %arg4[%swap3A_64, %swap3A_65], %add3A_63 {strides = array<i32>} : memref<1x16xi32, #tpu.memory_space<vmem>>, vector<1x16xi32>,
    return
  }
  func.func @transform_0(%arg0: i32) -> (i32, i32) {
    %c0_i32 = arith.constant 0 : i32
    %c0_i32_0 = arith.constant 0 : i32
    return %arg0, %c0_i32 : i32, i32
  }
  func.func @transform_1(%arg0: i32) -> (i32, i32) {
    %c0_i32 = arith.constant 0 : i32
    %c0_i32_0 = arith.constant 0 : i32
    %c0_i32_1 = arith.constant 0 : i32
    return %c0_i32, %c0_i32_0 : i32, i32
  }
  func.func @transform_2(%arg0: i32) -> (i32, i32) {
    %c0_i32 = arith.constant 0 : i32
    %c0_i32_0 = arith.constant 0 : i32
    return %arg0, %c0_i32 : i32, i32
  }
  func.func @transform_3(%arg0: i32) -> (i32, i32) {
    %c0_i32 = arith.constant 0 : i32
    %c0_i32_0 = arith.constant 0 : i32
    %c0_i32_1 = arith.constant 0 : i32
    return %c0_i32, %c0_i32_0 : i32, i32
  }
}

module attributes {stable_mosaic.version = 14 : i64} {
  func.func @_attn_body(%arg0: i32, %arg1: memref<256x64xf32, #tpu.memory_space<vmem>>, %arg2: memref<64x64xf32, #tpu.memory_space<vmem>>, %arg3: memref<512x64xf32, #tpu.memory_space<vmem>>, %arg4: memref<512x64xf32, #tpu.memory_space<vmem>>, %arg5: memref<64x64xf32, #tpu.memory_space<vmem>>, %arg6: memref<1x64xf32, #tpu.memory_space<vmem>>, %arg7: memref<256x64xf32, #tpu.memory_space<vmem>>) attributes {dimension_semantics = [#tpu.dimension_semantics<arbitrary>], iteration_bounds = array<i64: 4>, scalar_prefetch = 0 : i64, scratch_operands = 0 : i64, tpu.core_type = #tpu.core_type<tc>, window_params = [{transform_indices = @transform_0, window_bounds = array<i64: 256, 64>}, {pipeline_mode = #tpu.pipeline_mode<synchronous>, transform_indices = @transform_1, window_bounds = array<i64: 64, 64>}, {pipeline_mode = #tpu.pipeline_mode<synchronous>, transform_indices = @transform_2, window_bounds = array<i64: 512, 64>}, {pipeline_mode = #tpu.pipeline_mode<synchronous>, transform_indices = @transform_3, window_bounds = array<i64: 512, 64>}, {pipeline_mode = #tpu.pipeline_mode<synchronous>, transform_indices = @transform_4, window_bounds = array<i64: 64, 64>}, {pipeline_mode = #tpu.pipeline_mode<synchronous>, transform_indices = @transform_5, window_bounds = array<i64: 1, 64>}, {transform_indices = @transform_6, window_bounds = array<i64: 256, 64>}]} {
    %get3A = arith.constant 0 : index
    %get3A_0 = arith.constant 0 : index
    %get3A_1 = vector.load %arg1[%get3A, %get3A_0] : memref<256x64xf32, #tpu.memory_space<vmem>>, vector<256x64xf32>
    %get3A_2 = arith.constant 0 : index
    %get3A_3 = arith.constant 0 : index
    %get3A_4 = vector.load %arg2[%get3A_2, %get3A_3] : memref<64x64xf32, #tpu.memory_space<vmem>>, vector<64x64xf32>
    %dot_general3A = arith.constant dense<0.000000e+00> : vector<256x64xf32>
    %dot_general3A_5 = tpu.matmul %get3A_1, %get3A_4, %dot_general3A {dimension_numbers = #tpu.dot_dimension_numbers<[1], [0], [0], [1], [0, 0, 1, 1], [], []>, transpose_lhs_hint = false} : vector<256x64xf32>, vector<64x64xf32>, vector<256x64xf32> -> vector<256x64xf32>
    %broadcast_in_dim3A = arith.constant 0 : i32
    %broadcast_in_dim3A_6 = vector.broadcast %broadcast_in_dim3A : i32 to vector<256x1xi32>
    %slice3A = vector.extract_strided_slice %dot_general3A_5 {offsets = [0, 0], sizes = [256, 16], strides = [1, 1]} : vector<256x64xf32> to vector<256x16xf32>
    %reduce_sum3A = arith.constant dense<0.000000e+00> : vector<256xf32>
    %reduce_sum3A_7 = vector.multi_reduction <add>, %slice3A, %reduce_sum3A [1] : vector<256x16xf32> to vector<256xf32>
    %broadcast_in_dim3A_8 = vector.shape_cast %reduce_sum3A_7 : vector<256xf32> to vector<256x1xf32>
    %gt3A = arith.constant 0.000000e+00 : f32
    %gt3A_9 = vector.broadcast %gt3A : f32 to vector<256x1xf32>
    %gt3A_10 = arith.cmpf ogt, %broadcast_in_dim3A_8, %gt3A_9 : vector<256x1xf32>
    %convert_element_type3A = arith.extui %gt3A_10 : vector<256x1xi1> to vector<256x1xi32>
    %mul3A = arith.constant 1 : i32
    %mul3A_11 = vector.broadcast %mul3A : i32 to vector<256x1xi32>
    %mul3A_12 = arith.muli %convert_element_type3A, %mul3A_11 : vector<256x1xi32>
    %add3A = arith.addi %broadcast_in_dim3A_6, %mul3A_12 : vector<256x1xi32>
    %slice3A_13 = vector.extract_strided_slice %dot_general3A_5 {offsets = [0, 16], sizes = [256, 16], strides = [1, 1]} : vector<256x64xf32> to vector<256x16xf32>
    %reduce_sum3A_14 = arith.constant dense<0.000000e+00> : vector<256xf32>
    %reduce_sum3A_15 = vector.multi_reduction <add>, %slice3A_13, %reduce_sum3A_14 [1] : vector<256x16xf32> to vector<256xf32>
    %broadcast_in_dim3A_16 = vector.shape_cast %reduce_sum3A_15 : vector<256xf32> to vector<256x1xf32>
    %gt3A_17 = arith.constant 0.000000e+00 : f32
    %gt3A_18 = vector.broadcast %gt3A_17 : f32 to vector<256x1xf32>
    %gt3A_19 = arith.cmpf ogt, %broadcast_in_dim3A_16, %gt3A_18 : vector<256x1xf32>
    %convert_element_type3A_20 = arith.extui %gt3A_19 : vector<256x1xi1> to vector<256x1xi32>
    %mul3A_21 = arith.constant 2 : i32
    %mul3A_22 = vector.broadcast %mul3A_21 : i32 to vector<256x1xi32>
    %mul3A_23 = arith.muli %convert_element_type3A_20, %mul3A_22 : vector<256x1xi32>
    %add3A_24 = arith.addi %add3A, %mul3A_23 : vector<256x1xi32>
    %slice3A_25 = vector.extract_strided_slice %dot_general3A_5 {offsets = [0, 32], sizes = [256, 16], strides = [1, 1]} : vector<256x64xf32> to vector<256x16xf32>
    %reduce_sum3A_26 = arith.constant dense<0.000000e+00> : vector<256xf32>
    %reduce_sum3A_27 = vector.multi_reduction <add>, %slice3A_25, %reduce_sum3A_26 [1] : vector<256x16xf32> to vector<256xf32>
    %broadcast_in_dim3A_28 = vector.shape_cast %reduce_sum3A_27 : vector<256xf32> to vector<256x1xf32>
    %gt3A_29 = arith.constant 0.000000e+00 : f32
    %gt3A_30 = vector.broadcast %gt3A_29 : f32 to vector<256x1xf32>
    %gt3A_31 = arith.cmpf ogt, %broadcast_in_dim3A_28, %gt3A_30 : vector<256x1xf32>
    %convert_element_type3A_32 = arith.extui %gt3A_31 : vector<256x1xi1> to vector<256x1xi32>
    %mul3A_33 = arith.constant 4 : i32
    %mul3A_34 = vector.broadcast %mul3A_33 : i32 to vector<256x1xi32>
    %mul3A_35 = arith.muli %convert_element_type3A_32, %mul3A_34 : vector<256x1xi32>
    %add3A_36 = arith.addi %add3A_24, %mul3A_35 : vector<256x1xi32>
    %slice3A_37 = vector.extract_strided_slice %dot_general3A_5 {offsets = [0, 48], sizes = [256, 16], strides = [1, 1]} : vector<256x64xf32> to vector<256x16xf32>
    %reduce_sum3A_38 = arith.constant dense<0.000000e+00> : vector<256xf32>
    %reduce_sum3A_39 = vector.multi_reduction <add>, %slice3A_37, %reduce_sum3A_38 [1] : vector<256x16xf32> to vector<256xf32>
    %broadcast_in_dim3A_40 = vector.shape_cast %reduce_sum3A_39 : vector<256xf32> to vector<256x1xf32>
    %gt3A_41 = arith.constant 0.000000e+00 : f32
    %gt3A_42 = vector.broadcast %gt3A_41 : f32 to vector<256x1xf32>
    %gt3A_43 = arith.cmpf ogt, %broadcast_in_dim3A_40, %gt3A_42 : vector<256x1xf32>
    %convert_element_type3A_44 = arith.extui %gt3A_43 : vector<256x1xi1> to vector<256x1xi32>
    %mul3A_45 = arith.constant 8 : i32
    %mul3A_46 = vector.broadcast %mul3A_45 : i32 to vector<256x1xi32>
    %mul3A_47 = arith.muli %convert_element_type3A_44, %mul3A_46 : vector<256x1xi32>
    %add3A_48 = arith.addi %add3A_36, %mul3A_47 : vector<256x1xi32>
    %get3A_49 = arith.constant 0 : index
    %get3A_50 = arith.constant 0 : index
    %get3A_51 = vector.load %arg3[%get3A_49, %get3A_50] : memref<512x64xf32, #tpu.memory_space<vmem>>, vector<512x64xf32>
    %dot_general3A_52 = arith.constant dense<0.000000e+00> : vector<256x512xf32>
    %dot_general3A_53 = tpu.matmul %get3A_1, %get3A_51, %dot_general3A_52 {dimension_numbers = #tpu.dot_dimension_numbers<[1], [1], [0], [0], [0, 0, 1, 0], [], []>, transpose_lhs_hint = false} : vector<256x64xf32>, vector<512x64xf32>, vector<256x512xf32> -> vector<256x512xf32>
    %mul3A_54 = arith.constant 1.250000e-01 : f32
    %mul3A_55 = vector.broadcast %mul3A_54 : f32 to vector<256x512xf32>
    %mul3A_56 = arith.mulf %dot_general3A_53, %mul3A_55 : vector<256x512xf32>
    %iota3A = tpu.iota {dimensions = array<i32: 1>} : vector<256x512xi32>
    %shift_right_arithmetic3A = arith.constant 5 : i32
    %shift_right_arithmetic3A_57 = vector.broadcast %shift_right_arithmetic3A : i32 to vector<256x512xi32>
    %shift_right_arithmetic3A_58 = arith.shrsi %iota3A, %shift_right_arithmetic3A_57 : vector<256x512xi32>
    %eq3A = vector.broadcast %add3A_48 : vector<256x1xi32> to vector<256x512xi32>
    %eq3A_59 = arith.cmpi eq, %shift_right_arithmetic3A_58, %eq3A : vector<256x512xi32>
    %jit3A = arith.constant -1.000000e+30 : f32
    %broadcast_in_dim3A_60 = vector.broadcast %jit3A : f32 to vector<256x512xf32>
    %select_n3A = arith.select %eq3A_59, %mul3A_56, %broadcast_in_dim3A_60 : vector<256x512xi1>, vector<256x512xf32>
    %reduce_max3A = arith.constant dense<0xFF800000> : vector<256xf32>
    %reduce_max3A_61 = vector.multi_reduction <maximumf>, %select_n3A, %reduce_max3A [1] : vector<256x512xf32> to vector<256xf32>
    %broadcast_in_dim3A_62 = vector.shape_cast %reduce_max3A_61 : vector<256xf32> to vector<256x1xf32>
    %sub3A = vector.broadcast %broadcast_in_dim3A_62 : vector<256x1xf32> to vector<256x512xf32>
    %sub3A_63 = arith.subf %select_n3A, %sub3A : vector<256x512xf32>
    %exp3A = math.exp %sub3A_63 : vector<256x512xf32>
    %jit3A_64 = arith.constant 0.000000e+00 : f32
    %broadcast_in_dim3A_65 = vector.broadcast %jit3A_64 : f32 to vector<256x512xf32>
    %select_n3A_66 = arith.select %eq3A_59, %exp3A, %broadcast_in_dim3A_65 : vector<256x512xi1>, vector<256x512xf32>
    %reduce_sum3A_67 = arith.constant dense<0.000000e+00> : vector<256xf32>
    %reduce_sum3A_68 = vector.multi_reduction <add>, %select_n3A_66, %reduce_sum3A_67 [1] : vector<256x512xf32> to vector<256xf32>
    %broadcast_in_dim3A_69 = vector.shape_cast %reduce_sum3A_68 : vector<256xf32> to vector<256x1xf32>
    %div3A = vector.broadcast %broadcast_in_dim3A_69 : vector<256x1xf32> to vector<256x512xf32>
    %div3A_70 = arith.divf %select_n3A_66, %div3A : vector<256x512xf32>
    %get3A_71 = arith.constant 0 : index
    %get3A_72 = arith.constant 0 : index
    %get3A_73 = vector.load %arg4[%get3A_71, %get3A_72] : memref<512x64xf32, #tpu.memory_space<vmem>>, vector<512x64xf32>
    %dot_general3A_74 = arith.constant dense<0.000000e+00> : vector<256x64xf32>
    %dot_general3A_75 = tpu.matmul %div3A_70, %get3A_73, %dot_general3A_74 {dimension_numbers = #tpu.dot_dimension_numbers<[1], [0], [0], [1], [0, 0, 1, 1], [], []>, transpose_lhs_hint = false} : vector<256x512xf32>, vector<512x64xf32>, vector<256x64xf32> -> vector<256x64xf32>
    %get3A_76 = arith.constant 0 : index
    %get3A_77 = arith.constant 0 : index
    %get3A_78 = vector.load %arg5[%get3A_76, %get3A_77] : memref<64x64xf32, #tpu.memory_space<vmem>>, vector<64x64xf32>
    %dot_general3A_79 = arith.constant dense<0.000000e+00> : vector<256x64xf32>
    %dot_general3A_80 = tpu.matmul %dot_general3A_75, %get3A_78, %dot_general3A_79 {dimension_numbers = #tpu.dot_dimension_numbers<[1], [1], [0], [0], [0, 0, 1, 0], [], []>, transpose_lhs_hint = false} : vector<256x64xf32>, vector<64x64xf32>, vector<256x64xf32> -> vector<256x64xf32>
    %get3A_81 = arith.constant 0 : index
    %get3A_82 = arith.constant 0 : index
    %get3A_83 = vector.load %arg6[%get3A_81, %get3A_82] : memref<1x64xf32, #tpu.memory_space<vmem>>, vector<1x64xf32>
    %add3A_84 = vector.broadcast %get3A_83 : vector<1x64xf32> to vector<256x64xf32>
    %add3A_85 = arith.addf %dot_general3A_80, %add3A_84 : vector<256x64xf32>
    %swap3A = arith.constant 0 : index
    %swap3A_86 = arith.constant 0 : index
    %swap3A_87 = vector.load %arg7[%swap3A, %swap3A_86] : memref<256x64xf32, #tpu.memory_space<vmem>>, vector<256x64xf32>
    tpu.vector_store %arg7[%swap3A, %swap3A_86], %add3A_85 {strides = array<i32>} : memref<256x64xf32, #tpu.memory_space<vmem>>, vector<256x64xf32>,
    return
  }
  func.func @transform_0(%arg0: i32) -> (i32, i32) {
    %c0_i32 = arith.constant 0 : i32
    %c0_i32_0 = arith.constant 0 : i32
    return %arg0, %c0_i32 : i32, i32
  }
  func.func @transform_1(%arg0: i32) -> (i32, i32) {
    %c0_i32 = arith.constant 0 : i32
    %c0_i32_0 = arith.constant 0 : i32
    %c0_i32_1 = arith.constant 0 : i32
    return %c0_i32, %c0_i32_0 : i32, i32
  }
  func.func @transform_2(%arg0: i32) -> (i32, i32) {
    %c0_i32 = arith.constant 0 : i32
    %c0_i32_0 = arith.constant 0 : i32
    %c0_i32_1 = arith.constant 0 : i32
    return %c0_i32, %c0_i32_0 : i32, i32
  }
  func.func @transform_3(%arg0: i32) -> (i32, i32) {
    %c0_i32 = arith.constant 0 : i32
    %c0_i32_0 = arith.constant 0 : i32
    %c0_i32_1 = arith.constant 0 : i32
    return %c0_i32, %c0_i32_0 : i32, i32
  }
  func.func @transform_4(%arg0: i32) -> (i32, i32) {
    %c0_i32 = arith.constant 0 : i32
    %c0_i32_0 = arith.constant 0 : i32
    %c0_i32_1 = arith.constant 0 : i32
    return %c0_i32, %c0_i32_0 : i32, i32
  }
  func.func @transform_5(%arg0: i32) -> (i32, i32) {
    %c0_i32 = arith.constant 0 : i32
    %c0_i32_0 = arith.constant 0 : i32
    %c0_i32_1 = arith.constant 0 : i32
    return %c0_i32, %c0_i32_0 : i32, i32
  }
  func.func @transform_6(%arg0: i32) -> (i32, i32) {
    %c0_i32 = arith.constant 0 : i32
    %c0_i32_0 = arith.constant 0 : i32
    return %arg0, %c0_i32 : i32, i32
  }
}

</mosaic_0001>

<sc_bundles>
// kernel: kernel.5.cloned.1.call-start
scs
__scs_entry_jumppad:
0x0: {  	(pc) =	sbr.rel $0x88, $3  }
0x1: {  	(tag) =	ssettag $0x0;
	lr =	simm.s32 $0x1  }
0x2: {  	[smem:$0x3F9B] =	sst lr;
	_ =	strace $0xD0000000  }
0x3: {  	_ = 	snop  }
0x4: {  	_ = 	snop  }
0x5: {  	_ = 	snop  }
0x6: {  	_ = 	snop  }
0x7: {  	_ = 	snop  }
__scs_overlays_trampoline_lowered:
0x8: {  	[smem:$0x3FAA] =	sst s0  }
0x9: {  	[smem:$0x3FAB] =	sst s1  }
0xa: {  	[smem:$0x3FAC] =	sst s2  }
0xb: {  	[smem:$0x3FAD] =	sst s3  }
0xc: {  	[smem:$0x3FAE] =	sst s4  }
0xd: {  	[smem:$0x3FAF] =	sst s5  }
0xe: {  	[smem:$0x3FB0] =	sst s6  }
0xf: {  	[smem:$0x3FB1] =	sst s7  }
0x10: {  	[smem:$0x3FB2] =	sst s8  }
0x11: {  	[smem:$0x3FB3] =	sst s9;
	s0 =	simm.s32 @!p0 $0x0  }
0x12: {  	s1 =	sld [smem:$0x3F99];
	s0 =	simm.s32 @p0 $0x1  }
0x13: {  	[smem:$0x3FB4] =	sst s0;
	s0 =	simm.s32 @!p1 $0x0  }
0x14: {  	s2 =	sld [smem:$0x3F98];
	s0 =	simm.s32 @p1 $0x1  }
0x15: {  	[smem:$0x3FB5] =	sst s0;
	s0 =	simm.s32 @!p2 $0x0  }
0x16: {  	s3 =	sld [smem:$0x3FDB];
	s0 =	simm.s32 @p2 $0x1  }
0x17: {  	s4 =	simm.s32 $0x1BF5;
	[smem:$0x3FB7] =	sst s0  }
0x18: {  	s0 =	sld [smem:$0x3F9A];
	_ =	swait.ge [sflag:s4], $0x0  }
0x19: {  	s7 =	sld [smem:$0x3F9B]  }
0x1a: {  	s8 =	sadd.s32 $0xFFFFE003, lr  }
0x1b: {  	s9 =	sadd.s32 $0xFFFFFEF7, lr;
	s5 =	simm.s32 $0xFFFFFFFF;
	p2 =	slt.u32 s8, $0xFFFFF086  }
0x1c: {  	p1 =	slt.u32 s9, $0xF7A;
	s5 =	simm.s32 @!p2 $0x0  }
0x1d: {  	s5 =	simm.s32 @p1 $0x1;
	p0 =	seq.s32 s7, s2  }
0x1e: {  	s7 =	smul.u32 @!p0 $0xF7A, s2;
	p2 =	seq.s32 @!p0 s5, $0x0  }
0x1f: {  	s9 =	smul.u32 $0xF7A, s1;
	s8 =	simm.s32 @!p0 $0x1BF5;
	p2 =	por !p2, p0  }
0x20: {  	[sflag:s8] =	ssyncset.s32 @!p0 $0xFFFFF086;
	s6 =	sadd.s32 @!p0 s3, s7;
	s7 =	simm.s32 @!p0 $0x108  }
0x21: {  	s3 =	sadd.s32 s3, s9;
	s6 =	sadd.s32 @!p0 $0x88, s6;
	s7 =	simm.s32 @p2 $0x1082  }
0x22: {  	[simem:s7], [sflag:s8] =	dma.local @!p0 [hbm:s6], $0xF7A  }
0x23: {  	s9 =	sor.u32 $0xD0000000, s2;
	s6 =	simm.s32 $0x108;
	_ =	swait.ge @!p0 [sflag:s8], $0x0  }
0x24: {  	s3 =	sadd.s32 $0x88, s3;
	s6 =	simm.s32 @!p1 $0x1082;
	[sflag:s4] =	ssyncset.s32 $0xFFFFF086  }
0x25: {  	[simem:s6], [sflag:s4] =	dma.local [hbm:s3], $0xF7A  }
0x26: {  	[smem:$0x3F9B] =	sst s1;
	(tag) =	ssettag s2;
	_ =	strace s9  }
0x27: {  	s1 =	sld [smem:$0x3FAB]  }
0x28: {  	s2 =	sld [smem:$0x3FAC]  }
0x29: {  	s4 =	sld [smem:$0x3FAE]  }
0x2a: {  	p0 =	seq.s32 s5, $0x0;
	s5 =	sld [smem:$0x3FAF]  }
0x2b: {  	s6 =	sld [smem:$0x3FB0]  }
0x2c: {  	s7 =	sld [smem:$0x3FB1]  }
0x2d: {  	s3 =	simm.s32 $0x108;
	s8 =	sld [smem:$0x3FB2]  }
0x2e: {  	s3 =	simm.s32 @!p0 $0x1082;
	s9 =	sld [smem:$0x3FB3]  }
0x2f: {  	lr =	sadd.s32 s0, s3;
	s0 =	sld [smem:$0x3FAA]  }
0x30: {  	s3 =	sld [smem:$0x3FAD]  }
0x31: {  	[smem:$0x3FB6] =	sst s10  }
0x32: {  	s10 =	sld [smem:$0x3FB4];
	_ =	sdelay $0x3  }
0x33: {  	p0 =	seq.s32 s10, $0x1;
	s10 =	sld [smem:$0x3FB6];
	_ =	sdelay $0x3  }
0x34: {  	[smem:$0x3FB6] =	sst s10  }
0x35: {  	s10 =	sld [smem:$0x3FB5];
	_ =	sdelay $0x3  }
0x36: {  	p1 =	seq.s32 s10, $0x1;
	s10 =	sld [smem:$0x3FB6];
	_ =	sdelay $0x3  }
0x37: {  	[smem:$0x3FB6] =	sst s10  }
0x38: {  	s10 =	sld [smem:$0x3FB7]  }
0x39: {  	_ = 	snop;
	(pc) =	sbr.ind lr, $3  }
0x3a: {  	_ = 	snop  }
0x3b: {  	_ = 	snop  }
0x3c: {  	p2 =	seq.s32 s10, $0x1;
	s10 =	sld [smem:$0x3FB6]  }
0x3d: {  	_ =	shalt  }
0x3e: {  	_ =	shalt  }
0x3f: {  	_ =	shalt  }
0x40: {  	_ =	shalt  }
0x41: {  	_ =	shalt  }
0x42: {  	_ =	shalt  }
0x43: {  	_ =	shalt  }
0x44: {  	_ =	shalt  }
0x45: {  	_ =	shalt  }
0x46: {  	_ =	shalt  }
0x47: {  	_ =	shalt  }
0x48: {  	_ =	shalt  }
0x49: {  	_ =	shalt  }
0x4a: {  	_ =	shalt  }
0x4b: {  	_ =	shalt  }
0x4c: {  	_ =	shalt  }
0x4d: {  	_ =	shalt  }
0x4e: {  	_ =	shalt  }
0x4f: {  	_ =	shalt  }
0x50: {  	_ =	shalt  }
0x51: {  	_ =	shalt  }
0x52: {  	_ =	shalt  }
0x53: {  	_ =	shalt  }
0x54: {  	_ =	shalt  }
0x55: {  	_ =	shalt  }
0x56: {  	_ =	shalt  }
0x57: {  	_ =	shalt  }
0x58: {  	_ =	shalt  }
0x59: {  	_ =	shalt  }
0x5a: {  	_ =	shalt  }
0x5b: {  	_ =	shalt  }
0x5c: {  	_ =	shalt  }
0x5d: {  	_ =	shalt  }
0x5e: {  	_ =	shalt  }
0x5f: {  	_ =	shalt  }
0x60: {  	_ =	shalt  }
0x61: {  	_ =	shalt  }
0x62: {  	_ =	shalt  }
0x63: {  	_ =	shalt  }
0x64: {  	_ =	shalt  }
0x65: {  	_ =	shalt  }
0x66: {  	_ =	shalt  }
0x67: {  	_ =	shalt  }
0x68: {  	_ =	shalt  }
0x69: {  	_ =	shalt  }
0x6a: {  	_ =	shalt  }
0x6b: {  	_ =	shalt  }
0x6c: {  	_ =	shalt  }
0x6d: {  	_ =	shalt  }
0x6e: {  	_ =	shalt  }
0x6f: {  	_ =	shalt  }
0x70: {  	_ =	shalt  }
0x71: {  	_ =	shalt  }
0x72: {  	_ =	shalt  }
0x73: {  	_ =	shalt  }
0x74: {  	_ =	shalt  }
0x75: {  	_ =	shalt  }
0x76: {  	_ =	shalt  }
0x77: {  	_ =	shalt  }
0x78: {  	_ =	shalt  }
0x79: {  	_ =	shalt  }
0x7a: {  	_ =	shalt  }
0x7b: {  	_ =	shalt  }
0x7c: {  	_ =	shalt  }
0x7d: {  	_ =	shalt  }
0x7e: {  	_ =	shalt  }
0x7f: {  	_ =	shalt  }
0x80: {  	_ =	shalt  }
0x81: {  	_ =	shalt  }
0x82: {  	_ =	shalt  }
0x83: {  	_ =	shalt  }
0x84: {  	_ =	shalt  }
0x85: {  	_ =	shalt  }
0x86: {  	_ =	shalt  }
0x87: {  	_ =	shalt  }
.Lfunc_end0:
.L_simem_size_0:
called_computation_lowered:
.L_overlay_start_0:
0x88: {  	s2 =	sld [smem:$0x3FD9]  }
0x89: {  	s3 =	sld [smem:$0x3FFE];
	_ =	sdelay $0x1  }
0x8a: {  	s1 =	srdreg.scid  }
0x8b: {  	s0 =	sand.u32 $0x1, s1  }
0x8c: {  	s17 =	sshll.u32 s0, $0xA;
	s2 =	sadd.s32 s3, s2  }
0x8d: {  	s2 =	sadd.s32 s2, s17  }
0x8e: {  	[smem:$0x3FC2] =	sst s2  }
0x8f: {  	_ = 	snop  }
0x90: {  	s2 =	sld [smem:$0x3FD0];
	(tm) =	ssettm $0x1  }
0x91: {  	s18 =	sld [smem:$0x3FFB];
	_ =	sdelay $0x3  }
0x92: {  	_ =	strace s18  }
0x93: {  	s3 =	sld [smem:$0x3FFC];
	_ =	sdelay $0x3  }
0x94: {  	_ =	strace s3  }
0x95: {  	s3 =	sld [smem:$0x3FFD];
	_ =	sdelay $0x3  }
0x96: {  	_ =	strace s3  }
0x97: {  	_ =	strace $0x8FFFFFFF  }
0x98: {  	s19 =	sld [smem:$0x3FDB];
	_ =	sdelay $0x1  }
0x99: {  	s4 =	simm.s32 $_scs_section_size  }
0x9a: {  	s5 =	simm.s32 $_size__tile_overlayer_lowered;
	s6 =	simm.s32 $_tile_overlayer_lowered  }
0x9b: {  	s22 =	simm.s32 $0x1BFF;
	s21 =	sshll.u32 s6, $0x1;
	s3 =	sadd.s32 s4, s19  }
0x9c: {  	s7 =	simm.s32 $0x0;
	s20 =	sshll.u32 s5, $0x1;
	s5 =	sadd.s32 s21, s3  }
0x9d: {  	[timem:s7], [sflag:s22] =	dma.local [hbm:s5], s20  }
0x9e: {  	_ =	swait.ge [sflag:s22], s20  }
0x9f: {  	s4 =	ssub.s32 $0x0, s20;
	[sflag:s22] =	ssyncset.done $0x0  }
0xa0: {  	[sflag:s22] =	ssyncadd.s32 s4;
	_ =	sdelay $0x1  }
0xa1: {  	s23 =	simm.s32 $0x1B8B  }
0xa2: {  	_ =	swait.ge [sflag:s23], $0x1  }
0xa3: {  	[sflag:s23] =	ssyncset.done $0x0  }
0xa4: {  	s25 =	simm.s32 $0x1B8E;
	s24 =	sld [smem:$0x3FFE];
	[sflag:s23] =	ssyncadd.s32 $0xFFFFFFFF  }
0xa5: {  	s26 =	simm.s32 $execute0_lowered;
	[smem:$0x3FD2] =	sst s25  }
0xa6: {  	s5 =	sshll.u32 s26, $0x1;
	_ =	strace $0x80000046;
	[dreg:$0x1] =	wrdreg $0xFFFFFFFF  }
0xa7: {  	s28 =	simm.s32 $_size_execute0_lowered;
	s3 =	sadd.s32 s3, s5;
	[dreg:$0x0] =	wrdreg $0x0  }
0xa8: {  	s5 =	sshll.u32 s28, $0x1;
	[dreg:$0x2] =	wrdreg s3  }
0xa9: {  	[dreg:$0x3] =	wrdreg s5  }
0xaa: {  	[dreg:$0x4] =	wrdreg $0xC0  }
0xab: {  	_ =	task [dreg:s7], $0x5FFFF  }
0xac: {  	[dreg:$0x1] =	wrdreg $0xFFFFFFFF  }
0xad: {  	[dreg:$0x0] =	wrdreg $0x60  }
0xae: {  	[dreg:$0x2] =	wrdreg s24  }
0xaf: {  	[dreg:$0x3] =	wrdreg s2  }
0xb0: {  	[dreg:$0x4] =	wrdreg $0x9  }
0xb1: {  	_ =	task.clear_ibuf [dreg:s7], $0x5FFFF;
	_ =	strace $0x90000046  }
0xb2: {  	s29 =	simm.s32 $0x9;
	_ =	strace $0x80000048  }
0xb3: {  	_ =	swait.ge [sflag:s29], $0x1  }
0xb4: {  	[sflag:s29] =	ssyncadd.s32 $0xFFFFFFFF  }
0xb5: {  	_ =	strace $0x90000048  }
0xb6: {  	_ =	sfence  }
0xb7: {  	s30 =	sld [smem:$0x0];
	_ =	sdelay $0x2  }
0xb8: {  	s31 =	sshll.u32 s1, $0xD;
	s1 =	sshrl.u32 s1, $0x2  }
0xb9: {  	s3 =	sand.u32 $0x4000, s31;
	s1 =	sadd.s32 s1, s30  }
0xba: {  	s0 =	sor.u32 s3, s0;
	s1 =	sshll.u32 s1, $0x11  }
0xbb: {  	s0 =	sor.u32 s1, s0  }
0xbc: {  	s0 =	sadd.s32 $0x8F2B, s0  }
0xbd: {  	[sflag:s0] =	ssyncadd.remote.s32 $0x1  }
0xbe: {  	_ =	sfence.sel $0xFFFF  }
0xbf: {  	[dreg:$0x0] =	wrdreg $0xFFFFFFFF;
	(pc) =	sbr.abs _section_cstart, $3  }
0xc0: {  	[dreg:$0x1] =	wrdreg $0xFFFFFFFF  }
0xc1: {  	_ =	task.clear_ibuf [dreg:s7], $0x2FFFF;
	_ =	strace $0x9FFFFFFF  }
0xc2: {  	(tm) =	ssettm $0x7FFFFFFF  }
0xc3: {  	_ =	shalt  }
tec
execute0_lowered:
.L_overlay_start_1:
0x0: {  	(tag) =	ssettag $0x1  }
0x1: {  	s6 =	rddreg [dreg:$0x0]  }
0x2: {  	s7 =	rddreg [dreg:$0x1];
	s1 =	stileid.u32  }
0x3: {  	s0 =	rddreg [dreg:$0x2];
	s3 =	srdreg.scid  }
0x4: {  	s2 =	simm.s32 $0x0;
	s12 =	simm.s32 $0x20;
	s4 =	sshll.u32 s1, $0x1  }
0x5: {  	s13 =	simm.s32 $0x860;
	s5 =	sand.u32 $0x1, s3;
	s29 =	sand.u32 $0xE, s4  }
0x6: {  	v0 =	vlaneseq.u32;
	s14 =	simm.s32 $0x880;
	s15 =	simm.s32 $0x0;
	s8 =	sor.u32 s5, s29  }
0x7: {  	[smem:$0x7FF] =	sst s2;
	s3 =	sadd.s32 $0xC6400, s6;
	s9 =	sadd.s32 $0x189600, s6;
	v1 =	vxor.u32 s8, v0  }
0x8: {  	s11 =	sadd.s32 $0xC9600, s6;
	p0 =	slt.u32 s1, $0x8;
	_ =	strace $0x80000047;
	v2 =	vand.u32 $0x1, v1;
	v3 =	vshrl.u32 v1, $0x1;
	v4 =	vshrl.u32 v1, $0x3  }
.Ltmp0:
0x9: {  	s4 =	sadd.s32 $0x2C00, s6;
	s10 =	ssub.s32 $0x2, s5;
	v1 =	vshrl.u32 v1, $0x2;
	v3 =	vand.u32 $0x1, v3;
	v2 =	vadd.s32 v2, v4;
	(pc) =	sbr.rel .LBB2_1-.Ltmp0, $4  }
0xa: {  	s11 =	smov.u32 @p0 s7;
	s5 =	sadd.s32 $0x2E00, s6;
	s30 =	sshrl.u32 s10, $0x1;
	v1 =	vand.u32 $0x1, v1;
	v2 =	vadd.s32 v3, v2  }
0xb: {  	s6 =	ssub.s32 s10, s30;
	s31 =	sshll.u32 s8, $0x8;
	s5 =	smov.u32 @p0 s9;
	v3 =	vor.u32 $0x10, v0;
	v2 =	vadd.s32 v1, v2;
	v1 =	vmov s8  }
0xc: {  	s9 =	simm.s32 $0x2;
	s10 =	simm.s32 $0x1;
	s6 =	smax.u32 s6, $0x1;
	vm0 =	veq.s32 v2, $0x4;
	vm1 =	veq.s32 v2, $0x3;
	vm2 =	veq.s32 v2, $0x2  }
0xd: {  	s7 =	sadd.s32 s11, s31;
	s11 =	simm.s32 $0x830;
	s8 =	simm.s32 $0x1080;
	vm3 =	veq.s32 v2, $0x1;
	vm4 =	veq.s32 v2, $0x0;
	v2 =	vimm.s32 $0x0  }
.LBB2_6:
0xe: {  	v4 =	vmov s17  }
0xf: {  	vm5 =	vgt.s32 v4, v0  }
0x10: {  	v5 =	vsel vm5, $0x1, v2  }
0x11: {  	(xrf0) =	vadd.scan.msk.s32 $0xffff, v5;
	_ =	sdelay $0x1  }
0x12: {  	vm6 =	vgt.s32 v4, v3  }
0x13: {  	v4 =	vsel vm6, $0x1, v2;
	_ =	sdelay $0x1  }
0x14: {  	(xrf0) =	vadd.scan.msk.s32 $0xffff, v4  }
0x15: {  	v4, _, _ =	vpop (xrf0)  }
0x16: {  	(v2sf) =	vpush v4, $0xF  }
0x17: {  	v4 =	vmov s16  }
0x18: {  	vm7 =	vgt.s32 v4, v0  }
0x19: {  	v5 =	vsel vm7, $0x1, v2  }
0x1a: {  	v6, _, _ =	vpop (xrf0);
	(xrf0) =	vadd.scan.msk.s32 $0xffff, v5  }
0x1b: {  	(v2sf) =	vpush v6, $0xF;
	v5 =	vld [tilespmem:$0x7D0];
	_ =	sdelay $0x4  }
0x1c: {  	[tilespmem:s11+$0x0] =	vst.msk vm5, v5;
	v5, _, _ =	vpop (xrf0)  }
0x1d: {  	(v2sf) =	vpush v5, $0xF;
	v5 =	vld [tilespmem:$0x7E0];
	_ =	sdelay $0x3  }
0x1e: {  	s29 =	spop (v2sf)  }
0x1f: {  	[tilespmem:s29+$0x830] =	vst.msk vm6, v5  }
0x20: {  	v5 =	vld [tilespmem:$0x800];
	_ =	sdelay $0x2  }
0x21: {  	s30 =	spop (v2sf);
	s16 =	sadd.s32 $0x830, s29  }
0x22: {  	s16 =	sadd.s32 s30, s16  }
0x23: {  	[tilespmem:s16+$0x0] =	vst.msk vm7, v5  }
0x24: {  	v5 =	vld [tilespmem:$0x810];
	_ =	sdelay $0x2  }
0x25: {  	s31 =	spop (v2sf)  }
0x26: {  	vm5 =	vgt.s32 v4, v3;
	s16 =	sadd.s32 s31, s16  }
0x27: {  	[tilespmem:s16+$0x0] =	vst.msk vm5, v5  }
0x28: {  	v4 =	vld [tilespmem:$0x830]  }
0x29: {  	v5 =	vld [tilespmem:$0x840];
	_ =	sdelay $0x3  }
0x2a: {  	[tilespmem:$0x860] =	vst v4  }
0x2b: {  	[tilespmem:$0x870] =	vst v5  }
0x2c: {  	[tilespmem:s14], [sflag:$0x1] =	stream.indirect.gather [hbm4b:s5+s12], $0x40, s13, s12, $0xb8;
	[tilespmem:$0x1090] =	vst v63  }
0x2d: {  	s15 =	sadd.s32 $0x1, s15;
	_ =	swait.ge [sflag:s10], $0x800  }
0x2e: {  	p0 =	sne.s32 s15, s6;
	[sflag:s10] =	ssyncset.done $0x0  }
.Ltmp1:
0x2f: {  	[sflag:s10] =	ssyncadd.s32 $0xFFFFF800;
	(pc) =	sbr.rel @!p0 .LBB2_7-.Ltmp1, $4  }
0x30: {  	[hbm4b:s7+s2] =	stream.linear.scatter [tilespmem:s14], [sflag:$0x2], $0x800, $0x38;
	[tilespmem:$0x1090] =	vst v63  }
0x31: {  	_ =	swait.ge [sflag:s9], $0x800  }
0x32: {  	[sflag:s9] =	ssyncset.done $0x0  }
0x33: {  	[sflag:s9] =	ssyncadd.s32 $0xFFFFF800  }
.LBB2_1:
0x34: {  	[tilespmem:s8], [sflag:$0x2] =	stream.linear.gather [hbm4b:s4+s2], $0x10, $0x38;
	[tilespmem:$0x1090] =	vst v63  }
0x35: {  	_ =	swait.ge [sflag:s9], $0x10  }
0x36: {  	[sflag:s9] =	ssyncset.done $0x0  }
0x37: {  	[sflag:s9] =	ssyncadd.s32 $0xFFFFFFF0  }
0x38: {  	v4 =	vld [tilespmem:$0x1080];
	_ =	sdelay $0x4  }
0x39: {  	v5 =	vnsel vm4, $0x0, v4  }
0x3a: {  	(xrf0) =	vadd.scan.msk.s32 $0xffff, v5;
	v5 =	vnsel vm3, $0x0, v4  }
0x3b: {  	(xrf0) =	vadd.scan.msk.s32 $0xffff, v5;
	v5 =	vnsel vm2, $0x0, v4  }
0x3c: {  	(xrf0) =	vadd.scan.msk.s32 $0xffff, v5;
	v5 =	vnsel vm1, $0x0, v4  }
0x3d: {  	v4 =	vnsel vm0, $0x0, v4;
	(xrf0) =	vadd.scan.msk.s32 $0xffff, v5  }
0x3e: {  	(xrf0) =	vadd.scan.msk.s32 $0xffff, v4;
	_ =	sdelay $0x1  }
0x3f: {  	v4, _, _ =	vpop (xrf0)  }
0x40: {  	v5, _, _ =	vpop (xrf0);
	(v2sf) =	vpush v4, $0xF  }
0x41: {  	v4, _, _ =	vpop (xrf0);
	(v2sf) =	vpush v5, $0xF  }
0x42: {  	v5, _, _ =	vpop (xrf0);
	(v2sf) =	vpush v4, $0xF  }
0x43: {  	(v2sf) =	vpush v5, $0xF;
	v4, _, _ =	vpop (xrf0)  }
0x44: {  	(v2sf) =	vpush v4, $0xF;
	_ =	sdelay $0xa  }
0x45: {  	s16 =	spop (v2sf)  }
0x46: {  	s17 =	spop (v2sf)  }
0x47: {  	p0 =	slt.s32 s16, $0x20;
	s18 =	spop (v2sf);
	s19 =	sadd.s32 s17, s16  }
0x48: {  	s16 =	simm.s32 @!p0 $0x0;
	s20 =	spop (v2sf);
	s21 =	sadd.s32 s18, s19  }
0x49: {  	p4 =	slt.s32 s19, $0x20;
	s22 =	spop (v2sf);
	s23 =	sadd.s32 s20, s21  }
0x4a: {  	s17 =	simm.s32 @!p4 $0x0;
	p1 =	slt.s32 s21, $0x20;
	s24 =	sadd.s32 s22, s23  }
0x4b: {  	s16 =	sadd.s32 s16, s17;
	s18 =	simm.s32 @!p1 $0x0;
	p2 =	slt.s32 s23, $0x20  }
0x4c: {  	s16 =	sadd.s32 s18, s16;
	s20 =	simm.s32 @!p2 $0x0;
	p3 =	slt.s32 s24, $0x20  }
0x4d: {  	s16 =	sadd.s32 s20, s16;
	s22 =	simm.s32 @!p3 $0x0  }
0x4e: {  	s17 =	sadd.s32 s22, s16  }
0x4f: {  	s16 =	ssub.s32 $0x20, s17;
	p5 =	sgt.s32 s17, $0x0  }
0x50: {  	p6 =	slt.s32 @!p5 s16, $0x1  }
0x51: {  	p5 =	por p5, !p6  }
.Ltmp2:
0x52: {  	_ = 	snop;
	(pc) =	sbr.rel @!p5 .LBB2_6-.Ltmp2, $1  }
0x53: {  	_ =	sdelay $0x3  }
0x54: {  	s18 =	simm.s32 $0x1;
	s19 =	simm.s32 $0x1  }
0x55: {  	s20 =	simm.s32 $0x1;
	s18 =	simm.s32 @!p4 $0x0;
	s19 =	simm.s32 @!p0 $0x0  }
0x56: {  	s20 =	simm.s32 @!p1 $0x0;
	s18 =	sadd.s32 s19, s18;
	s19 =	simm.s32 $0x1  }
0x57: {  	s18 =	sadd.s32 s20, s18;
	s19 =	simm.s32 @!p2 $0x0;
	s20 =	simm.s32 $0x1  }
0x58: {  	s18 =	sadd.s32 s19, s18;
	s20 =	simm.s32 @!p3 $0x0  }
0x59: {  	s22 =	simm.s32 $0x0;
	s21 =	simm.s32 $0x0;
	s20 =	sadd.s32 s20, s18  }
0x5a: {  	s19 =	simm.s32 $0x0;
	s18 =	simm.s32 $0x0;
	v4 =	vmov s20;
	s20 =	simm.s32 $0x0  }
.LBB2_3:
0x5b: {  	s23 =	smul.u32 $0x7D0, s21;
	_ =	sdelay $0x1  }
0x5c: {  	s23 =	sshrl.u32 s23, $0x3  }
0x5d: {  	s23 =	sadd.s32 s3, s23  }
0x5e: {  	[tilespmem:s18], [sflag:$0x2] =	stream.linear.gather [hbm4b:s23+s18], $0x7D0, $0x38;
	[tilespmem:$0x1090] =	vst v63  }
0x5f: {  	_ =	swait.ge [sflag:s9], $0x7D0  }
0x60: {  	[sflag:s9] =	ssyncset.done $0x0  }
0x61: {  	s30 =	simm.s32 $0x0;
	[sflag:s9] =	ssyncadd.s32 $0xFFFFF830  }
0x62: {  	v5 =	vld [tilespmem:s30+$0x0];
	_ =	sdelay $0x4  }
0x63: {  	v5 =	vxor.u32 v1, v5  }
0x64: {  	v6 =	vshrl.u32 v5, $0x1  }
0x65: {  	v7 =	vshrl.u32 v5, $0x2;
	v8 =	vand.u32 $0x1, v5;
	v6 =	vand.u32 $0x1, v6  }
0x66: {  	v5 =	vshrl.u32 v5, $0x3;
	v7 =	vand.u32 $0x1, v7;
	v6 =	vadd.s32 v8, v6  }
0x67: {  	v5 =	vand.u32 $0x1, v5;
	v6 =	vadd.s32 v7, v6  }
0x68: {  	v5 =	vadd.s32 v5, v6  }
0x69: {  	vm5 =	veq.s32 v5, v4  }
0x6a: {  	vm6 =	vlt.u32 v5, v4;
	v6 =	vsel vm5, $0x1, v2  }
0x6b: {  	v7 =	vsel vm6, $0x1, v2;
	(xrf0) =	vadd.scan.msk.s32 $0xffff, v6  }
0x6c: {  	(xrf0) =	vadd.scan.msk.s32 $0xffff, v7;
	_ =	sdelay $0x4  }
0x6d: {  	p0 =	sge.s32 s22, s16;
	v6 =	vor.u32 s19, v0;
	v7, _, _ =	vpop (xrf0)  }
0x6e: {  	vm5 =	veq.s32 @!p0 v5, v4;
	[tilespmem:s20+$0x7D0] =	vst.msk vm6, v6;
	v5, _, _ =	vpop (xrf0);
	(v2sf) =	vpush v7, $0xF  }
0x6f: {  	s31 =	simm.s32 $0x10;
	[tilespmem:s22+$0x800] =	vst.msk @!p0 vm5, v6;
	(v2sf) =	vpush v5, $0xF  }
0x70: {  	v5 =	vld [tilespmem:s31+$0x0];
	_ =	sdelay $0x4  }
0x71: {  	v5 =	vxor.u32 v1, v5  }
0x72: {  	v6 =	vshrl.u32 v5, $0x1  }
0x73: {  	v7 =	vshrl.u32 v5, $0x2;
	v8 =	vand.u32 $0x1, v5;
	v6 =	vand.u32 $0x1, v6  }
0x74: {  	v5 =	vshrl.u32 v5, $0x3;
	v7 =	vand.u32 $0x1, v7;
	v6 =	vadd.s32 v8, v6  }
0x75: {  	v5 =	vand.u32 $0x1, v5;
	v6 =	vadd.s32 v7, v6  }
0x76: {  	v6 =	vadd.s32 v5, v6  }
0x77: {  	vm6 =	veq.s32 v6, v4  }
0x78: {  	s24 =	sadd.s32 $0x10, s19;
	vm5 =	vlt.u32 v6, v4;
	v5 =	vsel vm6, $0x1, v2  }
0x79: {  	s23 =	simm.s32 $0x80;
	p0 =	slt.s32 s22, s16;
	v7 =	vsel vm5, $0x1, v2;
	(xrf0) =	vadd.scan.msk.s32 $0xffff, v5;
	s25 =	spop (v2sf)  }
0x7a: {  	v5 =	vor.u32 s24, v0;
	s24 =	sadd.s32 $0x10, s24;
	(xrf0) =	vadd.scan.msk.s32 $0xffff, v7;
	s25 =	simm.s32 @!p0 $0x0;
	s26 =	spop (v2sf)  }
.LBB2_4:
0x7b: {  	s20 =	sadd.s32 s20, s26  }
0x7c: {  	v7 =	vor.u32 s24, v0;
	s22 =	sadd.s32 s22, s25;
	s25 =	smov.u32 s23;
	s23 =	sadd.s32 $0x40, s23  }
0x7d: {  	p0 =	sne.s32 s23, $0x1F40;
	[tilespmem:s20+$0x7D0] =	vst.msk vm5, v5;
	p1 =	sge.s32 s22, s16  }
0x7e: {  	vm5 =	veq.s32 @!p1 v6, v4  }
0x7f: {  	[tilespmem:s22+$0x800] =	vst.msk @!p1 vm5, v5;
	v6, _, _ =	vpop (xrf0);
	v5 =	vmov v7  }
0x80: {  	s25 =	sshra.s32 s25, $0x2;
	v7, _, _ =	vpop (xrf0);
	(v2sf) =	vpush v6, $0xF  }
0x81: {  	v6 =	vld [tilespmem:s25+$0x0];
	(v2sf) =	vpush v7, $0xF;
	_ =	sdelay $0x4  }
0x82: {  	v6 =	vxor.u32 v1, v6  }
0x83: {  	v7 =	vshrl.u32 v6, $0x1;
	v8 =	vshrl.u32 v6, $0x2;
	v9 =	vshrl.u32 v6, $0x3  }
0x84: {  	v6 =	vand.u32 $0x1, v6;
	v7 =	vand.u32 $0x1, v7  }
0x85: {  	v6 =	vadd.s32 v6, v7;
	v7 =	vand.u32 $0x1, v8  }
0x86: {  	v6 =	vadd.s32 v7, v6;
	v7 =	vand.u32 $0x1, v9  }
0x87: {  	v6 =	vadd.s32 v7, v6  }
.Ltmp3:
0x88: {  	vm5 =	vlt.u32 v6, v4;
	vm6 =	veq.s32 v6, v4;
	(pc) =	sbr.rel @p0 .LBB2_4-.Ltmp3, $4  }
0x89: {  	v7 =	vsel vm5, $0x1, v2;
	v8 =	vsel vm6, $0x1, v2  }
0x8a: {  	(xrf0) =	vadd.scan.msk.s32 $0xffff, v8  }
0x8b: {  	p1 =	slt.s32 s22, s16;
	(xrf0) =	vadd.scan.msk.s32 $0xffff, v7;
	s25 =	spop (v2sf)  }
0x8c: {  	s24 =	sadd.s32 $0x10, s24;
	s25 =	simm.s32 @!p1 $0x0;
	s26 =	spop (v2sf)  }
0x8d: {  	_ =	sdelay $0x2  }
0x8e: {  	v7, _, _ =	vpop (xrf0)  }
0x8f: {  	(v2sf) =	vpush v7, $0xF;
	v7, _, _ =	vpop (xrf0)  }
0x90: {  	(v2sf) =	vpush v7, $0xF;
	_ =	sdelay $0xc  }
0x91: {  	s23 =	sadd.s32 s22, s25  }
0x92: {  	p0 =	slt.s32 s23, s16;
	s22 =	spop (v2sf)  }
0x93: {  	s24 =	sadd.s32 s20, s26;
	s22 =	simm.s32 @!p0 $0x0;
	s31 =	spop (v2sf)  }
0x94: {  	s20 =	sadd.s32 s24, s31;
	s22 =	sadd.s32 s23, s22  }
0x95: {  	p5 =	slt.s32 s20, s17;
	p1 =	slt.s32 s22, s16  }
0x96: {  	p6 =	sgt.u32 s21, $0x30;
	p0 =	por p5, p1  }
0x97: {  	p0 =	por p6, !p0  }
.Ltmp4:
0x98: {  	_ = 	snop;
	(pc) =	sbr.rel @!p0 .LBB2_3-.Ltmp4, $4  }
.Ltmp5:
0x99: {  	_ = 	snop;
	(pc) =	sbr.rel @p0 .LBB2_6-.Ltmp5, $4  }
0x9a: {  	p2 =	sge.s32 s23, s16  }
0x9b: {  	[tilespmem:s24+$0x7D0] =	vst.msk vm5, v5;
	vm5 =	veq.s32 @!p2 v6, v4  }
0x9c: {  	s21 =	sadd.s32 $0x1, s21;
	s19 =	sadd.s32 $0x7D0, s19;
	[tilespmem:s23+$0x800] =	vst.msk @!p2 vm5, v5  }
0x9d: {  	_ = 	snop  }
.LBB2_7:
0x9e: {  	_ =	sfence.sel $0x180000  }
0x9f: {  	[bflag:$0x0] =	sbarrier.arrive $0xFFFF  }
0xa0: {  	p0 =	sne.s32 s1, $0x0;
	_ =	strace $0x90000047  }
0xa1: {  	s0 =	sadd.s32 @!p0 $0x100000, s0;
	[bflag:$0x2] =	sbarrier.arrive $0xFFFF  }
0xa2: {  	[sflag:s0] =	ssyncadd.tile.s32 @!p0 $0x1;
	_ =	shalt  }
.Lfunc_end2:
_tile_overlayer_lowered:
.L_overlay_start_2:
0xa3: {  	(tag) =	ssettag $0x2  }
0xa4: {  	s0 =	rddreg [dreg:$0x0];
	s2 =	stileid.u32  }
0xa5: {  	s1 =	rddreg [dreg:$0x1];
	p0 =	sne.s32 s2, $0x0  }
0xa6: {  	s3 =	rddreg [dreg:$0x2];
	[bflag:$0x3] =	sbarrier.arrive $0xFFFF;
	s2 =	simm.s32 @!p0 $0x1C02  }
0xa7: {  	[timem:s3], [sflag:s2] =	dma.local @!p0 [hbm:s0], s1  }
0xa8: {  	s0 =	simm.s32 @!p0 $0x2  }
0xa9: {  	_ =	swait.ge @!p0 [sflag:s0], s1  }
0xaa: {  	s1 =	ssub.s32 @!p0 $0x0, s1;
	[sflag:s0] =	ssyncset.done @!p0 $0x0  }
0xab: {  	[sflag:s0] =	ssyncadd.s32 @!p0 s1  }
0xac: {  	[bflag:$0x3] =	sbarrier.arrive $0xFFFF  }
0xad: {  	_ =	shalt  }

</sc_bundles>
